<compile_context>
chip_gen: v7x
topology: tpu7x:2x2x1
jax: 0.10.2.dev20260603
libtpu: 0.0.44.dev20260713+nightly
codegen_flags: <defaults>
</compile_context>

<pallas_src>
import functools

import jax
import jax.numpy as jnp
from jax import lax
from jax.experimental import pallas as pl
from jax.experimental.pallas import tpu as pltpu
from jax.experimental.pallas import tpu_sc as plsc

N = 10000
E = 320000
D = 128
C = 40

NC, NS = 2, 16
NW = NC * NS
E_PER_W = E // NW
CHUNK = 80
NCH = E_PER_W // CHUNK
NP = 10240
RPS = NP // NS
PH = 64

BLK = 2000
CBLK = 80

_SC_MESH = plsc.VectorSubcoreMesh(core_axis_name="c", subcore_axis_name="s")


@functools.partial(
    pl.kernel,
    out_type=jax.ShapeDtypeStruct((NC * NP, D), jnp.float32),
    mesh=_SC_MESH,
    scratch_types=[
        pltpu.VMEM((PH, CHUNK), jnp.int32),
        pltpu.VMEM((PH, CHUNK), jnp.int32),
        pltpu.VMEM((CHUNK, D), jnp.float32),
        pltpu.VMEM((CHUNK, D), jnp.float32),
        pltpu.VMEM_SHARED((NP, D), jnp.float32),
        pltpu.SemaphoreType.DMA,
        pltpu.SemaphoreType.DMA,
        pltpu.SemaphoreType.DMA,
        pltpu.SemaphoreType.DMA,
    ],
)
def _sc_aggregate(m_hbm, edges_hbm, z_hbm, out_hbm,
                  sidx, didx, buf0, buf1, acc, sem0a, sem0b, sem1a, sem1b):
    cid = lax.axis_index("c")
    sid = lax.axis_index("s")
    wid = cid * NS + sid

    HC = CHUNK // 2

    def gather2(j, buf, sa, sb):
        pltpu.async_copy(m_hbm.at[sidx.at[j, pl.ds(0, HC)]],
                         buf.at[pl.ds(0, HC)], sa)
        pltpu.async_copy(m_hbm.at[sidx.at[j, pl.ds(HC, HC)]],
                         buf.at[pl.ds(HC, HC)], sb)

    def wait2(buf, sa, sb):
        pltpu.make_async_copy(m_hbm.at[sidx.at[0, pl.ds(0, HC)]],
                              buf.at[pl.ds(0, HC)], sa).wait()
        pltpu.make_async_copy(m_hbm.at[sidx.at[0, pl.ds(HC, HC)]],
                              buf.at[pl.ds(HC, HC)], sb).wait()

    def run_phase(base, count, prologue=True):
        if prologue:
            pltpu.sync_copy(edges_hbm.at[0, wid, pl.ds(base, count)],
                            sidx.at[pl.ds(0, count)])
            pltpu.sync_copy(edges_hbm.at[1, wid, pl.ds(base, count)],
                            didx.at[pl.ds(0, count)])
            gather2(0, buf0, sem0a, sem0b)

        @pl.loop(0, count - (count % 2), step=2)
        def _(j):
            gather2(j + 1, buf1, sem1a, sem1b)
            wait2(buf0, sem0a, sem0b)
            pltpu.sync_copy(buf0, acc.at[didx.at[j]], add=True)

            @pl.when(j + 2 < count)
            def _():
                gather2(j + 2, buf0, sem0a, sem0b)

            wait2(buf1, sem1a, sem1b)
            pltpu.sync_copy(buf1, acc.at[didx.at[j + 1]], add=True)

        if count % 2:
            wait2(buf0, sem0a, sem0b)
            pltpu.sync_copy(buf0, acc.at[didx.at[count - 1]], add=True)

    pltpu.sync_copy(edges_hbm.at[0, wid, pl.ds(0, PH)], sidx)
    pltpu.sync_copy(edges_hbm.at[1, wid, pl.ds(0, PH)], didx)
    gather2(0, buf0, sem0a, sem0b)
    pltpu.sync_copy(z_hbm, acc.at[pl.ds(sid * RPS, RPS)])
    plsc.subcore_barrier()

    run_phase(0, PH, prologue=False)
    run_phase(PH, NCH - PH)

    plsc.subcore_barrier()
    pltpu.sync_copy(acc.at[pl.ds(sid * RPS, RPS)],
                    out_hbm.at[pl.ds(cid * NP + sid * RPS, RPS)])


def _tc_encode(x, enc_W0, enc_b0, gcn_W0):
    def body(x_ref, w0_ref, b0_ref, w1_ref, o_ref):
        h = jnp.dot(x_ref[...], w0_ref[...],
                    preferred_element_type=jnp.float32) + b0_ref[...]
        o_ref[...] = jnp.dot(h, w1_ref[...], preferred_element_type=jnp.float32)

    return pl.pallas_call(
        body,
        grid=(N // BLK,),
        in_specs=[
            pl.BlockSpec((BLK, D), lambda i: (i, 0)),
            pl.BlockSpec((D, D), lambda i: (0, 0)),
            pl.BlockSpec((1, D), lambda i: (0, 0)),
            pl.BlockSpec((D, D), lambda i: (0, 0)),
        ],
        out_specs=pl.BlockSpec((BLK, D), lambda i: (i, 0)),
        out_shape=jax.ShapeDtypeStruct((N, D), jnp.float32),
    )(x, enc_W0, enc_b0, gcn_W0)


def _tc_conv_out(p3, b, W):
    def body(p_ref, b_ref, w_ref, o_ref):
        h = jax.nn.relu(p_ref[0] + p_ref[1] + b_ref[...])
        o_ref[...] = jnp.dot(h, w_ref[...], preferred_element_type=jnp.float32)

    return pl.pallas_call(
        body,
        grid=(N // BLK,),
        in_specs=[
            pl.BlockSpec((2, BLK, D), lambda i: (0, i, 0)),
            pl.BlockSpec((1, D), lambda i: (0, 0)),
            pl.BlockSpec((D, D), lambda i: (0, 0)),
        ],
        out_specs=pl.BlockSpec((BLK, D), lambda i: (i, 0)),
        out_shape=jax.ShapeDtypeStruct((N, D), jnp.float32),
    )(p3, b, W)


def _tc_decode(q3, b, decW_pad, dec_b_pad):
    def body(q_ref, b_ref, w_ref, db_ref, o_ref):
        h = jax.nn.relu(q_ref[0] + q_ref[1] + b_ref[...])
        logits = jnp.dot(h, w_ref[...],
                         preferred_element_type=jnp.float32) + db_ref[...]
        mx = jnp.max(logits, axis=1, keepdims=True)
        lse = jnp.log(jnp.sum(jnp.exp(logits - mx), axis=1, keepdims=True))
        o_ref[...] = (logits - mx - lse)[:, :C]

    return pl.pallas_call(
        body,
        grid=(N // BLK,),
        in_specs=[
            pl.BlockSpec((2, BLK, D), lambda i: (0, i, 0)),
            pl.BlockSpec((1, D), lambda i: (0, 0)),
            pl.BlockSpec((D, D), lambda i: (0, 0)),
            pl.BlockSpec((1, D), lambda i: (0, 0)),
        ],
        out_specs=pl.BlockSpec((BLK, C), lambda i: (i, 0)),
        out_shape=jax.ShapeDtypeStruct((N, C), jnp.float32),
    )(q3, b, decW_pad, dec_b_pad)


def kernel(x, edge_index, enc_W0, enc_b0, gcn_W0, gcn_b0, gcn_W1, gcn_b1,
           dec_W0, dec_b0):
    edges = edge_index.astype(jnp.int32).reshape(2, NW, NCH, CHUNK)
    zeros = jnp.zeros((RPS, D), jnp.float32)

    decW_pad = jnp.pad(dec_W0, ((0, 0), (0, D - C)))
    dec_b_pad = jnp.pad(dec_b0, (0, D - C), constant_values=-1e30)

    m0 = _tc_encode(x, enc_W0, enc_b0.reshape(1, D), gcn_W0)
    p = _sc_aggregate(m0, edges, zeros).reshape(2, NP, D)
    m1 = _tc_conv_out(p, gcn_b0.reshape(1, D), gcn_W1)
    q = _sc_aggregate(m1, edges, zeros).reshape(2, NP, D)
    return _tc_decode(q, gcn_b1.reshape(1, D), decW_pad,
                      dec_b_pad.reshape(1, D))

# --- scband reference (transcript-rebuilt; emitter-appended) ---
"""Pipeline reference for scband-gnn-22093311771370 (READ-ONLY COPY).

The authoritative reference and input builder live on the scoring server;
editing this copy changes nothing except your own understanding.
"""

import jax, jax.numpy as jnp
import numpy as np

N_NODES = 10000
N_EDGES = 320000
D_FEAT = 128
N_CLASSES = 40


def setup_inputs(seed: int = 0) -> dict:
    key = jax.random.key(seed)
    ks = jax.random.split(key, 12)
    x = jax.random.normal(ks[0], (N_NODES, D_FEAT), dtype=jnp.float32)
    edge_index = jax.random.randint(ks[1], (2, N_EDGES), 0, N_NODES, dtype=jnp.int64 if jax.config.jax_enable_x64 else jnp.int32)
    s = 1.0 / np.sqrt(D_FEAT)
    enc_W0 = jax.random.uniform(ks[2], (D_FEAT, D_FEAT), jnp.float32, -s, s)
    enc_b0 = jax.random.uniform(ks[3], (D_FEAT,), jnp.float32, -s, s)
    gcn_W0 = jax.random.uniform(ks[4], (D_FEAT, D_FEAT), jnp.float32, -s, s)
    gcn_b0 = jax.random.uniform(ks[5], (D_FEAT,), jnp.float32, -s, s)
    gcn_W1 = jax.random.uniform(ks[6], (D_FEAT, D_FEAT), jnp.float32, -s, s)
    gcn_b1 = jax.random.uniform(ks[7], (D_FEAT,), jnp.float32, -s, s)
    dec_W0 = jax.random.uniform(ks[8], (D_FEAT, N_CLASSES), jnp.float32, -s, s)
    dec_b0 = jax.random.uniform(ks[9], (N_CLASSES,), jnp.float32, -s, s)
    return {"x": x, "edge_index": edge_index, "enc_W0": enc_W0, "enc_b0": enc_b0,
            "gcn_W0": gcn_W0, "gcn_b0": gcn_b0, "gcn_W1": gcn_W1, "gcn_b1": gcn_b1,
            "dec_W0": dec_W0, "dec_b0": dec_b0}


def _gcn_conv(h, edge_index, W, b):
    # PyG GCNConv with normalize=False: no gcn_norm, no self-loops added,
    # out[dst] = sum_{edges (src->dst)} (h[src] @ W) + b
    m = h @ W
    src = edge_index[0]
    dst = edge_index[1]
    agg = jnp.zeros((h.shape[0], m.shape[1]), dtype=m.dtype).at[dst].add(m[src])
    return agg + b


def reference(x, edge_index, enc_W0, enc_b0, gcn_W0, gcn_b0, gcn_W1, gcn_b1, dec_W0, dec_b0):
    # encoder MLP (dims [128,128] -> single Linear)
    h = x @ enc_W0 + enc_b0
    # GCN hops (dropout p=0.0 -> identity)
    h = jax.nn.relu(_gcn_conv(h, edge_index, gcn_W0, gcn_b0))
    h = jax.nn.relu(_gcn_conv(h, edge_index, gcn_W1, gcn_b1))
    # decoder MLP (dims [128,40] -> single Linear)
    out = h @ dec_W0 + dec_b0
    return jax.nn.log_softmax(out, axis=1)

if __name__ == "__main__":
    import jax
    _d = setup_inputs()
    print(jax.jit(kernel)(*tuple(_d.values())))

</pallas_src>

<mosaic_0001>
#map = affine_map<(d0, d1) -> (0, 0)>
#map1 = affine_map<(d0, d1) -> (0, 0, 0, 0)>
module attributes {stable_mosaic.version = 14 : i64} {
  func.func @_sc_aggregate(%arg0: i32, %arg1: i32, %arg2: memref<10000x128xf32, #tpu.memory_space<hbm>>, %arg3: memref<2x32x125x80xi32, #tpu.memory_space<hbm>>, %arg4: memref<640x128xf32, #tpu.memory_space<hbm>>, %arg5: memref<20480x128xf32, #tpu.memory_space<hbm>>, %arg6: memref<64x80xi32, #tpu.memory_space<vmem>>, %arg7: memref<64x80xi32, #tpu.memory_space<vmem>>, %arg8: memref<80x128xf32, #tpu.memory_space<vmem>>, %arg9: memref<80x128xf32, #tpu.memory_space<vmem>>, %arg10: memref<10240x128xf32, #tpu.memory_space<vmem_shared>>, %arg11: memref<!tpu.dma_semaphore, #tpu.memory_space<semaphore_mem>>, %arg12: memref<!tpu.dma_semaphore, #tpu.memory_space<semaphore_mem>>, %arg13: memref<!tpu.dma_semaphore, #tpu.memory_space<semaphore_mem>>, %arg14: memref<!tpu.dma_semaphore, #tpu.memory_space<semaphore_mem>>) attributes {dimension_semantics = [#tpu.dimension_semantics<core_parallel>, #tpu.dimension_semantics<subcore_parallel>], iteration_bounds = array<i64: 2, 16>, scalar_prefetch = 0 : i64, scratch_operands = 9 : i64, tpu.core_type = #tpu.core_type<sc_vector_subcore>, window_params = [{transform_indices = #map}, {transform_indices = #map1}, {transform_indices = #map}, {transform_indices = #map}]} {
    %mul3A = arith.constant 16 : i32
    %mul3A_0 = arith.muli %arg0, %mul3A : i32
    %add3A = arith.addi %mul3A_0, %arg1 : i32
    %run_scoped3A = arith.constant 0 : i32
    "tpu.region"() ({
      %run_scoped3A_82 = tpu.sem_alloc : memref<!tpu.dma_semaphore, #tpu.memory_space<semaphore_mem>>
      %dma_start3A_83 = arith.constant 0 : i32
      %dma_start3A_84 = arith.constant 0 : i32
      %dma_start3A_85 = tpu.memref_slice %arg3[%run_scoped3A, %add3A, %dma_start3A_83, %dma_start3A_84] : memref<2x32x125x80xi32, #tpu.memory_space<hbm>> -> memref<1x1x64x80xi32, #tpu.memory_space<hbm>>
      %dma_start3A_86 = tpu.memref_squeeze %dma_start3A_85 : memref<1x1x64x80xi32, #tpu.memory_space<hbm>> -> memref<64x80xi32, #tpu.memory_space<hbm>>
      %dma_start3A_87 = arith.constant 0 : i32
      %dma_start3A_88 = arith.constant 0 : i32
      %dma_start3A_89 = tpu.memref_slice %arg3[%run_scoped3A, %add3A, %dma_start3A_87, %dma_start3A_88] : memref<2x32x125x80xi32, #tpu.memory_space<hbm>> -> memref<1x1x64x80xi32, #tpu.memory_space<hbm>>
      %dma_start3A_90 = tpu.memref_squeeze %dma_start3A_89 : memref<1x1x64x80xi32, #tpu.memory_space<hbm>> -> memref<64x80xi32, #tpu.memory_space<hbm>>
      tpu.enqueue_dma source(%dma_start3A_90 : memref<64x80xi32, #tpu.memory_space<hbm>>) target(%arg6 : memref<64x80xi32, #tpu.memory_space<vmem>>) target_semaphore(%run_scoped3A_82 : memref<!tpu.dma_semaphore, #tpu.memory_space<semaphore_mem>>)
      %dma_wait3A_91 = arith.constant 0 : i32
      %dma_wait3A_92 = arith.constant 0 : i32
      %dma_wait3A_93 = tpu.memref_slice %arg3[%run_scoped3A, %add3A, %dma_wait3A_91, %dma_wait3A_92] : memref<2x32x125x80xi32, #tpu.memory_space<hbm>> -> memref<1x1x64x80xi32, #tpu.memory_space<hbm>>
      %dma_wait3A_94 = tpu.memref_squeeze %dma_wait3A_93 : memref<1x1x64x80xi32, #tpu.memory_space<hbm>> -> memref<64x80xi32, #tpu.memory_space<hbm>>
      %dma_wait3A_95 = arith.constant 0 : i32
      %dma_wait3A_96 = arith.constant 0 : i32
      %dma_wait3A_97 = tpu.memref_slice %arg3[%run_scoped3A, %add3A, %dma_wait3A_95, %dma_wait3A_96] : memref<2x32x125x80xi32, #tpu.memory_space<hbm>> -> memref<1x1x64x80xi32, #tpu.memory_space<hbm>>
      %dma_wait3A_98 = tpu.memref_squeeze %dma_wait3A_97 : memref<1x1x64x80xi32, #tpu.memory_space<hbm>> -> memref<64x80xi32, #tpu.memory_space<hbm>>
      tpu.wait_dma2 semaphore(%run_scoped3A_82 : memref<!tpu.dma_semaphore, #tpu.memory_space<semaphore_mem>>) src(%dma_wait3A_98 : memref<64x80xi32, #tpu.memory_space<hbm>>) dst(%arg6 : memref<64x80xi32, #tpu.memory_space<vmem>>)
      tpu.yield
    }) : () -> ()
    %run_scoped3A_1 = arith.constant 1 : i32
    "tpu.region"() ({
      %run_scoped3A_82 = tpu.sem_alloc : memref<!tpu.dma_semaphore, #tpu.memory_space<semaphore_mem>>
      %dma_start3A_83 = arith.constant 0 : i32
      %dma_start3A_84 = arith.constant 0 : i32
      %dma_start3A_85 = tpu.memref_slice %arg3[%run_scoped3A_1, %add3A, %dma_start3A_83, %dma_start3A_84] : memref<2x32x125x80xi32, #tpu.memory_space<hbm>> -> memref<1x1x64x80xi32, #tpu.memory_space<hbm>>
      %dma_start3A_86 = tpu.memref_squeeze %dma_start3A_85 : memref<1x1x64x80xi32, #tpu.memory_space<hbm>> -> memref<64x80xi32, #tpu.memory_space<hbm>>
      %dma_start3A_87 = arith.constant 0 : i32
      %dma_start3A_88 = arith.constant 0 : i32
      %dma_start3A_89 = tpu.memref_slice %arg3[%run_scoped3A_1, %add3A, %dma_start3A_87, %dma_start3A_88] : memref<2x32x125x80xi32, #tpu.memory_space<hbm>> -> memref<1x1x64x80xi32, #tpu.memory_space<hbm>>
      %dma_start3A_90 = tpu.memref_squeeze %dma_start3A_89 : memref<1x1x64x80xi32, #tpu.memory_space<hbm>> -> memref<64x80xi32, #tpu.memory_space<hbm>>
      tpu.enqueue_dma source(%dma_start3A_90 : memref<64x80xi32, #tpu.memory_space<hbm>>) target(%arg7 : memref<64x80xi32, #tpu.memory_space<vmem>>) target_semaphore(%run_scoped3A_82 : memref<!tpu.dma_semaphore, #tpu.memory_space<semaphore_mem>>)
      %dma_wait3A_91 = arith.constant 0 : i32
      %dma_wait3A_92 = arith.constant 0 : i32
      %dma_wait3A_93 = tpu.memref_slice %arg3[%run_scoped3A_1, %add3A, %dma_wait3A_91, %dma_wait3A_92] : memref<2x32x125x80xi32, #tpu.memory_space<hbm>> -> memref<1x1x64x80xi32, #tpu.memory_space<hbm>>
      %dma_wait3A_94 = tpu.memref_squeeze %dma_wait3A_93 : memref<1x1x64x80xi32, #tpu.memory_space<hbm>> -> memref<64x80xi32, #tpu.memory_space<hbm>>
      %dma_wait3A_95 = arith.constant 0 : i32
      %dma_wait3A_96 = arith.constant 0 : i32
      %dma_wait3A_97 = tpu.memref_slice %arg3[%run_scoped3A_1, %add3A, %dma_wait3A_95, %dma_wait3A_96] : memref<2x32x125x80xi32, #tpu.memory_space<hbm>> -> memref<1x1x64x80xi32, #tpu.memory_space<hbm>>
      %dma_wait3A_98 = tpu.memref_squeeze %dma_wait3A_97 : memref<1x1x64x80xi32, #tpu.memory_space<hbm>> -> memref<64x80xi32, #tpu.memory_space<hbm>>
      tpu.wait_dma2 semaphore(%run_scoped3A_82 : memref<!tpu.dma_semaphore, #tpu.memory_space<semaphore_mem>>) src(%dma_wait3A_98 : memref<64x80xi32, #tpu.memory_space<hbm>>) dst(%arg7 : memref<64x80xi32, #tpu.memory_space<vmem>>)
      tpu.yield
    }) : () -> ()
    %dma_start3A = arith.constant 0 : i32
    %dma_start3A_2 = arith.constant 0 : i32
    %dma_start3A_3 = arith.constant 0 : i32
    %dma_start3A_4 = tpu.memref_slice %arg8[%dma_start3A_2, %dma_start3A_3] : memref<80x128xf32, #tpu.memory_space<vmem>> -> memref<40x128xf32, #tpu.memory_space<vmem>>
    %dma_start3A_5 = arith.constant 0 : i32
    %dma_start3A_6 = tpu.memref_slice %arg6[%dma_start3A, %dma_start3A_5] : memref<64x80xi32, #tpu.memory_space<vmem>> -> memref<1x40xi32, #tpu.memory_space<vmem>>
    %dma_start3A_7 = tpu.memref_squeeze %dma_start3A_6 : memref<1x40xi32, #tpu.memory_space<vmem>> -> memref<40xi32, #tpu.memory_space<vmem>>
    %dma_start3A_8 = arith.constant 0 : i32
    %dma_start3A_9 = arith.constant 0 : i32
    %dma_start3A_10 = tpu.memref_slice %arg2[%dma_start3A_8, %dma_start3A_9] : memref<10000x128xf32, #tpu.memory_space<hbm>> -> memref<10000x128xf32, #tpu.memory_space<hbm>>
    tpu.enqueue_indirect_dma source(%dma_start3A_10 : memref<10000x128xf32, #tpu.memory_space<hbm>>) target(%dma_start3A_4 : memref<40x128xf32, #tpu.memory_space<vmem>>) offsets(%dma_start3A_7 : memref<40xi32, #tpu.memory_space<vmem>>) semaphore(%arg11 : memref<!tpu.dma_semaphore, #tpu.memory_space<semaphore_mem>>)
    %dma_start3A_11 = arith.constant 0 : i32
    %dma_start3A_12 = arith.constant 40 : i32
    %dma_start3A_13 = arith.constant 0 : i32
    %dma_start3A_14 = tpu.memref_slice %arg8[%dma_start3A_12, %dma_start3A_13] : memref<80x128xf32, #tpu.memory_space<vmem>> -> memref<40x128xf32, #tpu.memory_space<vmem>>
    %dma_start3A_15 = arith.constant 40 : i32
    %dma_start3A_16 = tpu.memref_slice %arg6[%dma_start3A_11, %dma_start3A_15] : memref<64x80xi32, #tpu.memory_space<vmem>> -> memref<1x40xi32, #tpu.memory_space<vmem>>
    %dma_start3A_17 = tpu.memref_squeeze %dma_start3A_16 : memref<1x40xi32, #tpu.memory_space<vmem>> -> memref<40xi32, #tpu.memory_space<vmem>>
    %dma_start3A_18 = arith.constant 0 : i32
    %dma_start3A_19 = arith.constant 0 : i32
    %dma_start3A_20 = tpu.memref_slice %arg2[%dma_start3A_18, %dma_start3A_19] : memref<10000x128xf32, #tpu.memory_space<hbm>> -> memref<10000x128xf32, #tpu.memory_space<hbm>>
    tpu.enqueue_indirect_dma source(%dma_start3A_20 : memref<10000x128xf32, #tpu.memory_space<hbm>>) target(%dma_start3A_14 : memref<40x128xf32, #tpu.memory_space<vmem>>) offsets(%dma_start3A_17 : memref<40xi32, #tpu.memory_space<vmem>>) semaphore(%arg12 : memref<!tpu.dma_semaphore, #tpu.memory_space<semaphore_mem>>)
    %mul3A_21 = arith.constant 640 : i32
    %mul3A_22 = arith.muli %arg1, %mul3A_21 : i32
    "tpu.region"() ({
      %run_scoped3A_82 = tpu.sem_alloc : memref<!tpu.dma_semaphore, #tpu.memory_space<semaphore_mem>>
      %dma_start3A_83 = arith.constant 0 : i32
      %dma_start3A_84 = tpu.memref_slice %arg10[%mul3A_22, %dma_start3A_83] : memref<10240x128xf32, #tpu.memory_space<vmem_shared>> -> memref<640x128xf32, #tpu.memory_space<vmem_shared>>
      tpu.enqueue_dma source(%arg4 : memref<640x128xf32, #tpu.memory_space<hbm>>) target(%dma_start3A_84 : memref<640x128xf32, #tpu.memory_space<vmem_shared>>) target_semaphore(%run_scoped3A_82 : memref<!tpu.dma_semaphore, #tpu.memory_space<semaphore_mem>>)
      %dma_wait3A_85 = arith.constant 0 : i32
      %dma_wait3A_86 = tpu.memref_slice %arg10[%mul3A_22, %dma_wait3A_85] : memref<10240x128xf32, #tpu.memory_space<vmem_shared>> -> memref<640x128xf32, #tpu.memory_space<vmem_shared>>
      tpu.wait_dma2 semaphore(%run_scoped3A_82 : memref<!tpu.dma_semaphore, #tpu.memory_space<semaphore_mem>>) src(%arg4 : memref<640x128xf32, #tpu.memory_space<hbm>>) dst(%dma_wait3A_86 : memref<640x128xf32, #tpu.memory_space<vmem_shared>>)
      tpu.yield
    }) : () -> ()
    %barrier3A = arith.constant 0 : index
    tpu.barrier barrier_id(%barrier3A)
    %scan3A = arith.constant 0 : i32
    %scan3A_23 = arith.constant 32 : i32
    %scan3A_24 = arith.addi %scan3A, %scan3A_23 : i32
    %scan3A_25 = arith.constant 1 : i32
    scf.for %scan3A_82 = %scan3A to %scan3A_24 step %scan3A_25  : i32 {
      %mul3A_83 = arith.constant 2 : i32
      %mul3A_84 = arith.muli %scan3A_82, %mul3A_83 : i32
      %add3A_85 = arith.constant 0 : i32
      %add3A_86 = arith.addi %add3A_85, %mul3A_84 : i32
      %add3A_87 = arith.constant 1 : i32
      %add3A_88 = arith.addi %add3A_86, %add3A_87 : i32
      %dma_start3A_89 = arith.constant 0 : i32
      %dma_start3A_90 = arith.constant 0 : i32
      %dma_start3A_91 = tpu.memref_slice %arg9[%dma_start3A_89, %dma_start3A_90] : memref<80x128xf32, #tpu.memory_space<vmem>> -> memref<40x128xf32, #tpu.memory_space<vmem>>
      %dma_start3A_92 = arith.constant 0 : i32
      %dma_start3A_93 = tpu.memref_slice %arg6[%add3A_88, %dma_start3A_92] : memref<64x80xi32, #tpu.memory_space<vmem>> -> memref<1x40xi32, #tpu.memory_space<vmem>>
      %dma_start3A_94 = tpu.memref_squeeze %dma_start3A_93 : memref<1x40xi32, #tpu.memory_space<vmem>> -> memref<40xi32, #tpu.memory_space<vmem>>
      %dma_start3A_95 = arith.constant 0 : i32
      %dma_start3A_96 = arith.constant 0 : i32
      %dma_start3A_97 = tpu.memref_slice %arg2[%dma_start3A_95, %dma_start3A_96] : memref<10000x128xf32, #tpu.memory_space<hbm>> -> memref<10000x128xf32, #tpu.memory_space<hbm>>
      tpu.enqueue_indirect_dma source(%dma_start3A_97 : memref<10000x128xf32, #tpu.memory_space<hbm>>) target(%dma_start3A_91 : memref<40x128xf32, #tpu.memory_space<vmem>>) offsets(%dma_start3A_94 : memref<40xi32, #tpu.memory_space<vmem>>) semaphore(%arg13 : memref<!tpu.dma_semaphore, #tpu.memory_space<semaphore_mem>>)
      %dma_start3A_98 = arith.constant 40 : i32
      %dma_start3A_99 = arith.constant 0 : i32
      %dma_start3A_100 = tpu.memref_slice %arg9[%dma_start3A_98, %dma_start3A_99] : memref<80x128xf32, #tpu.memory_space<vmem>> -> memref<40x128xf32, #tpu.memory_space<vmem>>
      %dma_start3A_101 = arith.constant 40 : i32
      %dma_start3A_102 = tpu.memref_slice %arg6[%add3A_88, %dma_start3A_101] : memref<64x80xi32, #tpu.memory_space<vmem>> -> memref<1x40xi32, #tpu.memory_space<vmem>>
      %dma_start3A_103 = tpu.memref_squeeze %dma_start3A_102 : memref<1x40xi32, #tpu.memory_space<vmem>> -> memref<40xi32, #tpu.memory_space<vmem>>
      %dma_start3A_104 = arith.constant 0 : i32
      %dma_start3A_105 = arith.constant 0 : i32
      %dma_start3A_106 = tpu.memref_slice %arg2[%dma_start3A_104, %dma_start3A_105] : memref<10000x128xf32, #tpu.memory_space<hbm>> -> memref<10000x128xf32, #tpu.memory_space<hbm>>
      tpu.enqueue_indirect_dma source(%dma_start3A_106 : memref<10000x128xf32, #tpu.memory_space<hbm>>) target(%dma_start3A_100 : memref<40x128xf32, #tpu.memory_space<vmem>>) offsets(%dma_start3A_103 : memref<40xi32, #tpu.memory_space<vmem>>) semaphore(%arg14 : memref<!tpu.dma_semaphore, #tpu.memory_space<semaphore_mem>>)
      %dma_wait3A_107 = arith.constant 0 : i32
      %dma_wait3A_108 = arith.constant 0 : i32
      %dma_wait3A_109 = arith.constant 0 : i32
      %dma_wait3A_110 = tpu.memref_slice %arg8[%dma_wait3A_108, %dma_wait3A_109] : memref<80x128xf32, #tpu.memory_space<vmem>> -> memref<40x128xf32, #tpu.memory_space<vmem>>
      %dma_wait3A_111 = arith.constant 0 : i32
      %dma_wait3A_112 = tpu.memref_slice %arg6[%dma_wait3A_107, %dma_wait3A_111] : memref<64x80xi32, #tpu.memory_space<vmem>> -> memref<1x40xi32, #tpu.memory_space<vmem>>
      %dma_wait3A_113 = tpu.memref_squeeze %dma_wait3A_112 : memref<1x40xi32, #tpu.memory_space<vmem>> -> memref<40xi32, #tpu.memory_space<vmem>>
      %dma_wait3A_114 = arith.constant 0 : i32
      %dma_wait3A_115 = arith.constant 0 : i32
      %dma_wait3A_116 = tpu.memref_slice %arg2[%dma_wait3A_114, %dma_wait3A_115] : memref<10000x128xf32, #tpu.memory_space<hbm>> -> memref<10000x128xf32, #tpu.memory_space<hbm>>
      tpu.wait_indirect_dma semaphore(%arg11 : memref<!tpu.dma_semaphore, #tpu.memory_space<semaphore_mem>>) src(%dma_wait3A_116 : memref<10000x128xf32, #tpu.memory_space<hbm>>) dst(%dma_wait3A_110 : memref<40x128xf32, #tpu.memory_space<vmem>>)
      %dma_wait3A_117 = arith.constant 0 : i32
      %dma_wait3A_118 = arith.constant 40 : i32
      %dma_wait3A_119 = arith.constant 0 : i32
      %dma_wait3A_120 = tpu.memref_slice %arg8[%dma_wait3A_118, %dma_wait3A_119] : memref<80x128xf32, #tpu.memory_space<vmem>> -> memref<40x128xf32, #tpu.memory_space<vmem>>
      %dma_wait3A_121 = arith.constant 40 : i32
      %dma_wait3A_122 = tpu.memref_slice %arg6[%dma_wait3A_117, %dma_wait3A_121] : memref<64x80xi32, #tpu.memory_space<vmem>> -> memref<1x40xi32, #tpu.memory_space<vmem>>
      %dma_wait3A_123 = tpu.memref_squeeze %dma_wait3A_122 : memref<1x40xi32, #tpu.memory_space<vmem>> -> memref<40xi32, #tpu.memory_space<vmem>>
      %dma_wait3A_124 = arith.constant 0 : i32
      %dma_wait3A_125 = arith.constant 0 : i32
      %dma_wait3A_126 = tpu.memref_slice %arg2[%dma_wait3A_124, %dma_wait3A_125] : memref<10000x128xf32, #tpu.memory_space<hbm>> -> memref<10000x128xf32, #tpu.memory_space<hbm>>
      tpu.wait_indirect_dma semaphore(%arg12 : memref<!tpu.dma_semaphore, #tpu.memory_space<semaphore_mem>>) src(%dma_wait3A_126 : memref<10000x128xf32, #tpu.memory_space<hbm>>) dst(%dma_wait3A_120 : memref<40x128xf32, #tpu.memory_space<vmem>>)
      "tpu.region"() ({
        %run_scoped3A_153 = tpu.sem_alloc : memref<!tpu.dma_semaphore, #tpu.memory_space<semaphore_mem>>
        %dma_start3A_154 = arith.constant 0 : i32
        %dma_start3A_155 = tpu.memref_slice %arg7[%add3A_86, %dma_start3A_154] : memref<64x80xi32, #tpu.memory_space<vmem>> -> memref<1x80xi32, #tpu.memory_space<vmem>>
        %dma_start3A_156 = tpu.memref_squeeze %dma_start3A_155 : memref<1x80xi32, #tpu.memory_space<vmem>> -> memref<80xi32, #tpu.memory_space<vmem>>
        %dma_start3A_157 = arith.constant 0 : i32
        %dma_start3A_158 = arith.constant 0 : i32
        %dma_start3A_159 = tpu.memref_slice %arg10[%dma_start3A_157, %dma_start3A_158] : memref<10240x128xf32, #tpu.memory_space<vmem_shared>> -> memref<10240x128xf32, #tpu.memory_space<vmem_shared>>
        tpu.enqueue_indirect_dma source(%arg8 : memref<80x128xf32, #tpu.memory_space<vmem>>) target(%dma_start3A_159 : memref<10240x128xf32, #tpu.memory_space<vmem_shared>>) offsets(%dma_start3A_156 : memref<80xi32, #tpu.memory_space<vmem>>) semaphore(%run_scoped3A_153 : memref<!tpu.dma_semaphore, #tpu.memory_space<semaphore_mem>>) {add = true}
        %dma_wait3A_160 = arith.constant 0 : i32
        %dma_wait3A_161 = tpu.memref_slice %arg7[%add3A_86, %dma_wait3A_160] : memref<64x80xi32, #tpu.memory_space<vmem>> -> memref<1x80xi32, #tpu.memory_space<vmem>>
        %dma_wait3A_162 = tpu.memref_squeeze %dma_wait3A_161 : memref<1x80xi32, #tpu.memory_space<vmem>> -> memref<80xi32, #tpu.memory_space<vmem>>
        %dma_wait3A_163 = arith.constant 0 : i32
        %dma_wait3A_164 = arith.constant 0 : i32
        %dma_wait3A_165 = tpu.memref_slice %arg10[%dma_wait3A_163, %dma_wait3A_164] : memref<10240x128xf32, #tpu.memory_space<vmem_shared>> -> memref<10240x128xf32, #tpu.memory_space<vmem_shared>>
        tpu.wait_indirect_dma semaphore(%run_scoped3A_153 : memref<!tpu.dma_semaphore, #tpu.memory_space<semaphore_mem>>) src(%arg8 : memref<80x128xf32, #tpu.memory_space<vmem>>) dst(%dma_wait3A_165 : memref<10240x128xf32, #tpu.memory_space<vmem_shared>>)
        tpu.yield
      }) : () -> ()
      %add3A_127 = arith.constant 2 : i32
      %add3A_128 = arith.addi %add3A_86, %add3A_127 : i32
      %lt3A = arith.constant 64 : i32
      %lt3A_129 = arith.cmpi slt, %add3A_128, %lt3A : i32
      %convert_element_type3A = arith.extui %lt3A_129 : i1 to i32
      %cond3A = arith.constant 0 : i32
      %cond3A_130 = arith.cmpi ne, %convert_element_type3A, %cond3A : i32
      scf.if %cond3A_130 {
        %add3A_153 = arith.constant 2 : i32
        %add3A_154 = arith.addi %add3A_86, %add3A_153 : i32
        %dma_start3A_155 = arith.constant 0 : i32
        %dma_start3A_156 = arith.constant 0 : i32
        %dma_start3A_157 = tpu.memref_slice %arg8[%dma_start3A_155, %dma_start3A_156] : memref<80x128xf32, #tpu.memory_space<vmem>> -> memref<40x128xf32, #tpu.memory_space<vmem>>
        %dma_start3A_158 = arith.constant 0 : i32
        %dma_start3A_159 = tpu.memref_slice %arg6[%add3A_154, %dma_start3A_158] : memref<64x80xi32, #tpu.memory_space<vmem>> -> memref<1x40xi32, #tpu.memory_space<vmem>>
        %dma_start3A_160 = tpu.memref_squeeze %dma_start3A_159 : memref<1x40xi32, #tpu.memory_space<vmem>> -> memref<40xi32, #tpu.memory_space<vmem>>
        %dma_start3A_161 = arith.constant 0 : i32
        %dma_start3A_162 = arith.constant 0 : i32
        %dma_start3A_163 = tpu.memref_slice %arg2[%dma_start3A_161, %dma_start3A_162] : memref<10000x128xf32, #tpu.memory_space<hbm>> -> memref<10000x128xf32, #tpu.memory_space<hbm>>
        tpu.enqueue_indirect_dma source(%dma_start3A_163 : memref<10000x128xf32, #tpu.memory_space<hbm>>) target(%dma_start3A_157 : memref<40x128xf32, #tpu.memory_space<vmem>>) offsets(%dma_start3A_160 : memref<40xi32, #tpu.memory_space<vmem>>) semaphore(%arg11 : memref<!tpu.dma_semaphore, #tpu.memory_space<semaphore_mem>>)
        %dma_start3A_164 = arith.constant 40 : i32
        %dma_start3A_165 = arith.constant 0 : i32
        %dma_start3A_166 = tpu.memref_slice %arg8[%dma_start3A_164, %dma_start3A_165] : memref<80x128xf32, #tpu.memory_space<vmem>> -> memref<40x128xf32, #tpu.memory_space<vmem>>
        %dma_start3A_167 = arith.constant 40 : i32
        %dma_start3A_168 = tpu.memref_slice %arg6[%add3A_154, %dma_start3A_167] : memref<64x80xi32, #tpu.memory_space<vmem>> -> memref<1x40xi32, #tpu.memory_space<vmem>>
        %dma_start3A_169 = tpu.memref_squeeze %dma_start3A_168 : memref<1x40xi32, #tpu.memory_space<vmem>> -> memref<40xi32, #tpu.memory_space<vmem>>
        %dma_start3A_170 = arith.constant 0 : i32
        %dma_start3A_171 = arith.constant 0 : i32
        %dma_start3A_172 = tpu.memref_slice %arg2[%dma_start3A_170, %dma_start3A_171] : memref<10000x128xf32, #tpu.memory_space<hbm>> -> memref<10000x128xf32, #tpu.memory_space<hbm>>
        tpu.enqueue_indirect_dma source(%dma_start3A_172 : memref<10000x128xf32, #tpu.memory_space<hbm>>) target(%dma_start3A_166 : memref<40x128xf32, #tpu.memory_space<vmem>>) offsets(%dma_start3A_169 : memref<40xi32, #tpu.memory_space<vmem>>) semaphore(%arg12 : memref<!tpu.dma_semaphore, #tpu.memory_space<semaphore_mem>>)
      } else {
      }
      %dma_wait3A_131 = arith.constant 0 : i32
      %dma_wait3A_132 = arith.constant 0 : i32
      %dma_wait3A_133 = arith.constant 0 : i32
      %dma_wait3A_134 = tpu.memref_slice %arg9[%dma_wait3A_132, %dma_wait3A_133] : memref<80x128xf32, #tpu.memory_space<vmem>> -> memref<40x128xf32, #tpu.memory_space<vmem>>
      %dma_wait3A_135 = arith.constant 0 : i32
      %dma_wait3A_136 = tpu.memref_slice %arg6[%dma_wait3A_131, %dma_wait3A_135] : memref<64x80xi32, #tpu.memory_space<vmem>> -> memref<1x40xi32, #tpu.memory_space<vmem>>
      %dma_wait3A_137 = tpu.memref_squeeze %dma_wait3A_136 : memref<1x40xi32, #tpu.memory_space<vmem>> -> memref<40xi32, #tpu.memory_space<vmem>>
      %dma_wait3A_138 = arith.constant 0 : i32
      %dma_wait3A_139 = arith.constant 0 : i32
      %dma_wait3A_140 = tpu.memref_slice %arg2[%dma_wait3A_138, %dma_wait3A_139] : memref<10000x128xf32, #tpu.memory_space<hbm>> -> memref<10000x128xf32, #tpu.memory_space<hbm>>
      tpu.wait_indirect_dma semaphore(%arg13 : memref<!tpu.dma_semaphore, #tpu.memory_space<semaphore_mem>>) src(%dma_wait3A_140 : memref<10000x128xf32, #tpu.memory_space<hbm>>) dst(%dma_wait3A_134 : memref<40x128xf32, #tpu.memory_space<vmem>>)
      %dma_wait3A_141 = arith.constant 0 : i32
      %dma_wait3A_142 = arith.constant 40 : i32
      %dma_wait3A_143 = arith.constant 0 : i32
      %dma_wait3A_144 = tpu.memref_slice %arg9[%dma_wait3A_142, %dma_wait3A_143] : memref<80x128xf32, #tpu.memory_space<vmem>> -> memref<40x128xf32, #tpu.memory_space<vmem>>
      %dma_wait3A_145 = arith.constant 40 : i32
      %dma_wait3A_146 = tpu.memref_slice %arg6[%dma_wait3A_141, %dma_wait3A_145] : memref<64x80xi32, #tpu.memory_space<vmem>> -> memref<1x40xi32, #tpu.memory_space<vmem>>
      %dma_wait3A_147 = tpu.memref_squeeze %dma_wait3A_146 : memref<1x40xi32, #tpu.memory_space<vmem>> -> memref<40xi32, #tpu.memory_space<vmem>>
      %dma_wait3A_148 = arith.constant 0 : i32
      %dma_wait3A_149 = arith.constant 0 : i32
      %dma_wait3A_150 = tpu.memref_slice %arg2[%dma_wait3A_148, %dma_wait3A_149] : memref<10000x128xf32, #tpu.memory_space<hbm>> -> memref<10000x128xf32, #tpu.memory_space<hbm>>
      tpu.wait_indirect_dma semaphore(%arg14 : memref<!tpu.dma_semaphore, #tpu.memory_space<semaphore_mem>>) src(%dma_wait3A_150 : memref<10000x128xf32, #tpu.memory_space<hbm>>) dst(%dma_wait3A_144 : memref<40x128xf32, #tpu.memory_space<vmem>>)
      %add3A_151 = arith.constant 1 : i32
      %add3A_152 = arith.addi %add3A_86, %add3A_151 : i32
      "tpu.region"() ({
        %run_scoped3A_153 = tpu.sem_alloc : memref<!tpu.dma_semaphore, #tpu.memory_space<semaphore_mem>>
        %dma_start3A_154 = arith.constant 0 : i32
        %dma_start3A_155 = tpu.memref_slice %arg7[%add3A_152, %dma_start3A_154] : memref<64x80xi32, #tpu.memory_space<vmem>> -> memref<1x80xi32, #tpu.memory_space<vmem>>
        %dma_start3A_156 = tpu.memref_squeeze %dma_start3A_155 : memref<1x80xi32, #tpu.memory_space<vmem>> -> memref<80xi32, #tpu.memory_space<vmem>>
        %dma_start3A_157 = arith.constant 0 : i32
        %dma_start3A_158 = arith.constant 0 : i32
        %dma_start3A_159 = tpu.memref_slice %arg10[%dma_start3A_157, %dma_start3A_158] : memref<10240x128xf32, #tpu.memory_space<vmem_shared>> -> memref<10240x128xf32, #tpu.memory_space<vmem_shared>>
        tpu.enqueue_indirect_dma source(%arg9 : memref<80x128xf32, #tpu.memory_space<vmem>>) target(%dma_start3A_159 : memref<10240x128xf32, #tpu.memory_space<vmem_shared>>) offsets(%dma_start3A_156 : memref<80xi32, #tpu.memory_space<vmem>>) semaphore(%run_scoped3A_153 : memref<!tpu.dma_semaphore, #tpu.memory_space<semaphore_mem>>) {add = true}
        %dma_wait3A_160 = arith.constant 0 : i32
        %dma_wait3A_161 = tpu.memref_slice %arg7[%add3A_152, %dma_wait3A_160] : memref<64x80xi32, #tpu.memory_space<vmem>> -> memref<1x80xi32, #tpu.memory_space<vmem>>
        %dma_wait3A_162 = tpu.memref_squeeze %dma_wait3A_161 : memref<1x80xi32, #tpu.memory_space<vmem>> -> memref<80xi32, #tpu.memory_space<vmem>>
        %dma_wait3A_163 = arith.constant 0 : i32
        %dma_wait3A_164 = arith.constant 0 : i32
        %dma_wait3A_165 = tpu.memref_slice %arg10[%dma_wait3A_163, %dma_wait3A_164] : memref<10240x128xf32, #tpu.memory_space<vmem_shared>> -> memref<10240x128xf32, #tpu.memory_space<vmem_shared>>
        tpu.wait_indirect_dma semaphore(%run_scoped3A_153 : memref<!tpu.dma_semaphore, #tpu.memory_space<semaphore_mem>>) src(%arg9 : memref<80x128xf32, #tpu.memory_space<vmem>>) dst(%dma_wait3A_165 : memref<10240x128xf32, #tpu.memory_space<vmem_shared>>)
        tpu.yield
      }) : () -> ()
    }
    %scan3A_26 = arith.constant 32 : i32
    %run_scoped3A_27 = arith.constant 0 : i32
    "tpu.region"() ({
      %run_scoped3A_82 = tpu.sem_alloc : memref<!tpu.dma_semaphore, #tpu.memory_space<semaphore_mem>>
      %dma_start3A_83 = arith.constant 0 : i32
      %dma_start3A_84 = arith.constant 0 : i32
      %dma_start3A_85 = tpu.memref_slice %arg6[%dma_start3A_83, %dma_start3A_84] : memref<64x80xi32, #tpu.memory_space<vmem>> -> memref<61x80xi32, #tpu.memory_space<vmem>>
      %dma_start3A_86 = arith.constant 64 : i32
      %dma_start3A_87 = arith.constant 0 : i32
      %dma_start3A_88 = tpu.memref_slice %arg3[%run_scoped3A_27, %add3A, %dma_start3A_86, %dma_start3A_87] : memref<2x32x125x80xi32, #tpu.memory_space<hbm>> -> memref<1x1x61x80xi32, #tpu.memory_space<hbm>>
      %dma_start3A_89 = tpu.memref_squeeze %dma_start3A_88 : memref<1x1x61x80xi32, #tpu.memory_space<hbm>> -> memref<61x80xi32, #tpu.memory_space<hbm>>
      %dma_start3A_90 = arith.constant 0 : i32
      %dma_start3A_91 = arith.constant 0 : i32
      %dma_start3A_92 = tpu.memref_slice %arg6[%dma_start3A_90, %dma_start3A_91] : memref<64x80xi32, #tpu.memory_space<vmem>> -> memref<61x80xi32, #tpu.memory_space<vmem>>
      %dma_start3A_93 = arith.constant 64 : i32
      %dma_start3A_94 = arith.constant 0 : i32
      %dma_start3A_95 = tpu.memref_slice %arg3[%run_scoped3A_27, %add3A, %dma_start3A_93, %dma_start3A_94] : memref<2x32x125x80xi32, #tpu.memory_space<hbm>> -> memref<1x1x61x80xi32, #tpu.memory_space<hbm>>
      %dma_start3A_96 = tpu.memref_squeeze %dma_start3A_95 : memref<1x1x61x80xi32, #tpu.memory_space<hbm>> -> memref<61x80xi32, #tpu.memory_space<hbm>>
      tpu.enqueue_dma source(%dma_start3A_96 : memref<61x80xi32, #tpu.memory_space<hbm>>) target(%dma_start3A_92 : memref<61x80xi32, #tpu.memory_space<vmem>>) target_semaphore(%run_scoped3A_82 : memref<!tpu.dma_semaphore, #tpu.memory_space<semaphore_mem>>)
      %dma_wait3A_97 = arith.constant 0 : i32
      %dma_wait3A_98 = arith.constant 0 : i32
      %dma_wait3A_99 = tpu.memref_slice %arg6[%dma_wait3A_97, %dma_wait3A_98] : memref<64x80xi32, #tpu.memory_space<vmem>> -> memref<61x80xi32, #tpu.memory_space<vmem>>
      %dma_wait3A_100 = arith.constant 64 : i32
      %dma_wait3A_101 = arith.constant 0 : i32
      %dma_wait3A_102 = tpu.memref_slice %arg3[%run_scoped3A_27, %add3A, %dma_wait3A_100, %dma_wait3A_101] : memref<2x32x125x80xi32, #tpu.memory_space<hbm>> -> memref<1x1x61x80xi32, #tpu.memory_space<hbm>>
      %dma_wait3A_103 = tpu.memref_squeeze %dma_wait3A_102 : memref<1x1x61x80xi32, #tpu.memory_space<hbm>> -> memref<61x80xi32, #tpu.memory_space<hbm>>
      %dma_wait3A_104 = arith.constant 0 : i32
      %dma_wait3A_105 = arith.constant 0 : i32
      %dma_wait3A_106 = tpu.memref_slice %arg6[%dma_wait3A_104, %dma_wait3A_105] : memref<64x80xi32, #tpu.memory_space<vmem>> -> memref<61x80xi32, #tpu.memory_space<vmem>>
      %dma_wait3A_107 = arith.constant 64 : i32
      %dma_wait3A_108 = arith.constant 0 : i32
      %dma_wait3A_109 = tpu.memref_slice %arg3[%run_scoped3A_27, %add3A, %dma_wait3A_107, %dma_wait3A_108] : memref<2x32x125x80xi32, #tpu.memory_space<hbm>> -> memref<1x1x61x80xi32, #tpu.memory_space<hbm>>
      %dma_wait3A_110 = tpu.memref_squeeze %dma_wait3A_109 : memref<1x1x61x80xi32, #tpu.memory_space<hbm>> -> memref<61x80xi32, #tpu.memory_space<hbm>>
      tpu.wait_dma2 semaphore(%run_scoped3A_82 : memref<!tpu.dma_semaphore, #tpu.memory_space<semaphore_mem>>) src(%dma_wait3A_110 : memref<61x80xi32, #tpu.memory_space<hbm>>) dst(%dma_wait3A_106 : memref<61x80xi32, #tpu.memory_space<vmem>>)
      tpu.yield
    }) : () -> ()
    %run_scoped3A_28 = arith.constant 1 : i32
    "tpu.region"() ({
      %run_scoped3A_82 = tpu.sem_alloc : memref<!tpu.dma_semaphore, #tpu.memory_space<semaphore_mem>>
      %dma_start3A_83 = arith.constant 0 : i32
      %dma_start3A_84 = arith.constant 0 : i32
      %dma_start3A_85 = tpu.memref_slice %arg7[%dma_start3A_83, %dma_start3A_84] : memref<64x80xi32, #tpu.memory_space<vmem>> -> memref<61x80xi32, #tpu.memory_space<vmem>>
      %dma_start3A_86 = arith.constant 64 : i32
      %dma_start3A_87 = arith.constant 0 : i32
      %dma_start3A_88 = tpu.memref_slice %arg3[%run_scoped3A_28, %add3A, %dma_start3A_86, %dma_start3A_87] : memref<2x32x125x80xi32, #tpu.memory_space<hbm>> -> memref<1x1x61x80xi32, #tpu.memory_space<hbm>>
      %dma_start3A_89 = tpu.memref_squeeze %dma_start3A_88 : memref<1x1x61x80xi32, #tpu.memory_space<hbm>> -> memref<61x80xi32, #tpu.memory_space<hbm>>
      %dma_start3A_90 = arith.constant 0 : i32
      %dma_start3A_91 = arith.constant 0 : i32
      %dma_start3A_92 = tpu.memref_slice %arg7[%dma_start3A_90, %dma_start3A_91] : memref<64x80xi32, #tpu.memory_space<vmem>> -> memref<61x80xi32, #tpu.memory_space<vmem>>
      %dma_start3A_93 = arith.constant 64 : i32
      %dma_start3A_94 = arith.constant 0 : i32
      %dma_start3A_95 = tpu.memref_slice %arg3[%run_scoped3A_28, %add3A, %dma_start3A_93, %dma_start3A_94] : memref<2x32x125x80xi32, #tpu.memory_space<hbm>> -> memref<1x1x61x80xi32, #tpu.memory_space<hbm>>
      %dma_start3A_96 = tpu.memref_squeeze %dma_start3A_95 : memref<1x1x61x80xi32, #tpu.memory_space<hbm>> -> memref<61x80xi32, #tpu.memory_space<hbm>>
      tpu.enqueue_dma source(%dma_start3A_96 : memref<61x80xi32, #tpu.memory_space<hbm>>) target(%dma_start3A_92 : memref<61x80xi32, #tpu.memory_space<vmem>>) target_semaphore(%run_scoped3A_82 : memref<!tpu.dma_semaphore, #tpu.memory_space<semaphore_mem>>)
      %dma_wait3A_97 = arith.constant 0 : i32
      %dma_wait3A_98 = arith.constant 0 : i32
      %dma_wait3A_99 = tpu.memref_slice %arg7[%dma_wait3A_97, %dma_wait3A_98] : memref<64x80xi32, #tpu.memory_space<vmem>> -> memref<61x80xi32, #tpu.memory_space<vmem>>
      %dma_wait3A_100 = arith.constant 64 : i32
      %dma_wait3A_101 = arith.constant 0 : i32
      %dma_wait3A_102 = tpu.memref_slice %arg3[%run_scoped3A_28, %add3A, %dma_wait3A_100, %dma_wait3A_101] : memref<2x32x125x80xi32, #tpu.memory_space<hbm>> -> memref<1x1x61x80xi32, #tpu.memory_space<hbm>>
      %dma_wait3A_103 = tpu.memref_squeeze %dma_wait3A_102 : memref<1x1x61x80xi32, #tpu.memory_space<hbm>> -> memref<61x80xi32, #tpu.memory_space<hbm>>
      %dma_wait3A_104 = arith.constant 0 : i32
      %dma_wait3A_105 = arith.constant 0 : i32
      %dma_wait3A_106 = tpu.memref_slice %arg7[%dma_wait3A_104, %dma_wait3A_105] : memref<64x80xi32, #tpu.memory_space<vmem>> -> memref<61x80xi32, #tpu.memory_space<vmem>>
      %dma_wait3A_107 = arith.constant 64 : i32
      %dma_wait3A_108 = arith.constant 0 : i32
      %dma_wait3A_109 = tpu.memref_slice %arg3[%run_scoped3A_28, %add3A, %dma_wait3A_107, %dma_wait3A_108] : memref<2x32x125x80xi32, #tpu.memory_space<hbm>> -> memref<1x1x61x80xi32, #tpu.memory_space<hbm>>
      %dma_wait3A_110 = tpu.memref_squeeze %dma_wait3A_109 : memref<1x1x61x80xi32, #tpu.memory_space<hbm>> -> memref<61x80xi32, #tpu.memory_space<hbm>>
      tpu.wait_dma2 semaphore(%run_scoped3A_82 : memref<!tpu.dma_semaphore, #tpu.memory_space<semaphore_mem>>) src(%dma_wait3A_110 : memref<61x80xi32, #tpu.memory_space<hbm>>) dst(%dma_wait3A_106 : memref<61x80xi32, #tpu.memory_space<vmem>>)
      tpu.yield
    }) : () -> ()
    %dma_start3A_29 = arith.constant 0 : i32
    %dma_start3A_30 = arith.constant 0 : i32
    %dma_start3A_31 = arith.constant 0 : i32
    %dma_start3A_32 = tpu.memref_slice %arg8[%dma_start3A_30, %dma_start3A_31] : memref<80x128xf32, #tpu.memory_space<vmem>> -> memref<40x128xf32, #tpu.memory_space<vmem>>
    %dma_start3A_33 = arith.constant 0 : i32
    %dma_start3A_34 = tpu.memref_slice %arg6[%dma_start3A_29, %dma_start3A_33] : memref<64x80xi32, #tpu.memory_space<vmem>> -> memref<1x40xi32, #tpu.memory_space<vmem>>
    %dma_start3A_35 = tpu.memref_squeeze %dma_start3A_34 : memref<1x40xi32, #tpu.memory_space<vmem>> -> memref<40xi32, #tpu.memory_space<vmem>>
    %dma_start3A_36 = arith.constant 0 : i32
    %dma_start3A_37 = arith.constant 0 : i32
    %dma_start3A_38 = tpu.memref_slice %arg2[%dma_start3A_36, %dma_start3A_37] : memref<10000x128xf32, #tpu.memory_space<hbm>> -> memref<10000x128xf32, #tpu.memory_space<hbm>>
    tpu.enqueue_indirect_dma source(%dma_start3A_38 : memref<10000x128xf32, #tpu.memory_space<hbm>>) target(%dma_start3A_32 : memref<40x128xf32, #tpu.memory_space<vmem>>) offsets(%dma_start3A_35 : memref<40xi32, #tpu.memory_space<vmem>>) semaphore(%arg11 : memref<!tpu.dma_semaphore, #tpu.memory_space<semaphore_mem>>)
    %dma_start3A_39 = arith.constant 0 : i32
    %dma_start3A_40 = arith.constant 40 : i32
    %dma_start3A_41 = arith.constant 0 : i32
    %dma_start3A_42 = tpu.memref_slice %arg8[%dma_start3A_40, %dma_start3A_41] : memref<80x128xf32, #tpu.memory_space<vmem>> -> memref<40x128xf32, #tpu.memory_space<vmem>>
    %dma_start3A_43 = arith.constant 40 : i32
    %dma_start3A_44 = tpu.memref_slice %arg6[%dma_start3A_39, %dma_start3A_43] : memref<64x80xi32, #tpu.memory_space<vmem>> -> memref<1x40xi32, #tpu.memory_space<vmem>>
    %dma_start3A_45 = tpu.memref_squeeze %dma_start3A_44 : memref<1x40xi32, #tpu.memory_space<vmem>> -> memref<40xi32, #tpu.memory_space<vmem>>
    %dma_start3A_46 = arith.constant 0 : i32
    %dma_start3A_47 = arith.constant 0 : i32
    %dma_start3A_48 = tpu.memref_slice %arg2[%dma_start3A_46, %dma_start3A_47] : memref<10000x128xf32, #tpu.memory_space<hbm>> -> memref<10000x128xf32, #tpu.memory_space<hbm>>
    tpu.enqueue_indirect_dma source(%dma_start3A_48 : memref<10000x128xf32, #tpu.memory_space<hbm>>) target(%dma_start3A_42 : memref<40x128xf32, #tpu.memory_space<vmem>>) offsets(%dma_start3A_45 : memref<40xi32, #tpu.memory_space<vmem>>) semaphore(%arg12 : memref<!tpu.dma_semaphore, #tpu.memory_space<semaphore_mem>>)
    %scan3A_49 = arith.constant 0 : i32
    %scan3A_50 = arith.constant 30 : i32
    %scan3A_51 = arith.addi %scan3A_49, %scan3A_50 : i32
    %scan3A_52 = arith.constant 1 : i32
    scf.for %scan3A_82 = %scan3A_49 to %scan3A_51 step %scan3A_52  : i32 {
      %mul3A_83 = arith.constant 2 : i32
      %mul3A_84 = arith.muli %scan3A_82, %mul3A_83 : i32
      %add3A_85 = arith.constant 0 : i32
      %add3A_86 = arith.addi %add3A_85, %mul3A_84 : i32
      %add3A_87 = arith.constant 1 : i32
      %add3A_88 = arith.addi %add3A_86, %add3A_87 : i32
      %dma_start3A_89 = arith.constant 0 : i32
      %dma_start3A_90 = arith.constant 0 : i32
      %dma_start3A_91 = tpu.memref_slice %arg9[%dma_start3A_89, %dma_start3A_90] : memref<80x128xf32, #tpu.memory_space<vmem>> -> memref<40x128xf32, #tpu.memory_space<vmem>>
      %dma_start3A_92 = arith.constant 0 : i32
      %dma_start3A_93 = tpu.memref_slice %arg6[%add3A_88, %dma_start3A_92] : memref<64x80xi32, #tpu.memory_space<vmem>> -> memref<1x40xi32, #tpu.memory_space<vmem>>
      %dma_start3A_94 = tpu.memref_squeeze %dma_start3A_93 : memref<1x40xi32, #tpu.memory_space<vmem>> -> memref<40xi32, #tpu.memory_space<vmem>>
      %dma_start3A_95 = arith.constant 0 : i32
      %dma_start3A_96 = arith.constant 0 : i32
      %dma_start3A_97 = tpu.memref_slice %arg2[%dma_start3A_95, %dma_start3A_96] : memref<10000x128xf32, #tpu.memory_space<hbm>> -> memref<10000x128xf32, #tpu.memory_space<hbm>>
      tpu.enqueue_indirect_dma source(%dma_start3A_97 : memref<10000x128xf32, #tpu.memory_space<hbm>>) target(%dma_start3A_91 : memref<40x128xf32, #tpu.memory_space<vmem>>) offsets(%dma_start3A_94 : memref<40xi32, #tpu.memory_space<vmem>>) semaphore(%arg13 : memref<!tpu.dma_semaphore, #tpu.memory_space<semaphore_mem>>)
      %dma_start3A_98 = arith.constant 40 : i32
      %dma_start3A_99 = arith.constant 0 : i32
      %dma_start3A_100 = tpu.memref_slice %arg9[%dma_start3A_98, %dma_start3A_99] : memref<80x128xf32, #tpu.memory_space<vmem>> -> memref<40x128xf32, #tpu.memory_space<vmem>>
      %dma_start3A_101 = arith.constant 40 : i32
      %dma_start3A_102 = tpu.memref_slice %arg6[%add3A_88, %dma_start3A_101] : memref<64x80xi32, #tpu.memory_space<vmem>> -> memref<1x40xi32, #tpu.memory_space<vmem>>
      %dma_start3A_103 = tpu.memref_squeeze %dma_start3A_102 : memref<1x40xi32, #tpu.memory_space<vmem>> -> memref<40xi32, #tpu.memory_space<vmem>>
      %dma_start3A_104 = arith.constant 0 : i32
      %dma_start3A_105 = arith.constant 0 : i32
      %dma_start3A_106 = tpu.memref_slice %arg2[%dma_start3A_104, %dma_start3A_105] : memref<10000x128xf32, #tpu.memory_space<hbm>> -> memref<10000x128xf32, #tpu.memory_space<hbm>>
      tpu.enqueue_indirect_dma source(%dma_start3A_106 : memref<10000x128xf32, #tpu.memory_space<hbm>>) target(%dma_start3A_100 : memref<40x128xf32, #tpu.memory_space<vmem>>) offsets(%dma_start3A_103 : memref<40xi32, #tpu.memory_space<vmem>>) semaphore(%arg14 : memref<!tpu.dma_semaphore, #tpu.memory_space<semaphore_mem>>)
      %dma_wait3A_107 = arith.constant 0 : i32
      %dma_wait3A_108 = arith.constant 0 : i32
      %dma_wait3A_109 = arith.constant 0 : i32
      %dma_wait3A_110 = tpu.memref_slice %arg8[%dma_wait3A_108, %dma_wait3A_109] : memref<80x128xf32, #tpu.memory_space<vmem>> -> memref<40x128xf32, #tpu.memory_space<vmem>>
      %dma_wait3A_111 = arith.constant 0 : i32
      %dma_wait3A_112 = tpu.memref_slice %arg6[%dma_wait3A_107, %dma_wait3A_111] : memref<64x80xi32, #tpu.memory_space<vmem>> -> memref<1x40xi32, #tpu.memory_space<vmem>>
      %dma_wait3A_113 = tpu.memref_squeeze %dma_wait3A_112 : memref<1x40xi32, #tpu.memory_space<vmem>> -> memref<40xi32, #tpu.memory_space<vmem>>
      %dma_wait3A_114 = arith.constant 0 : i32
      %dma_wait3A_115 = arith.constant 0 : i32
      %dma_wait3A_116 = tpu.memref_slice %arg2[%dma_wait3A_114, %dma_wait3A_115] : memref<10000x128xf32, #tpu.memory_space<hbm>> -> memref<10000x128xf32, #tpu.memory_space<hbm>>
      tpu.wait_indirect_dma semaphore(%arg11 : memref<!tpu.dma_semaphore, #tpu.memory_space<semaphore_mem>>) src(%dma_wait3A_116 : memref<10000x128xf32, #tpu.memory_space<hbm>>) dst(%dma_wait3A_110 : memref<40x128xf32, #tpu.memory_space<vmem>>)
      %dma_wait3A_117 = arith.constant 0 : i32
      %dma_wait3A_118 = arith.constant 40 : i32
      %dma_wait3A_119 = arith.constant 0 : i32
      %dma_wait3A_120 = tpu.memref_slice %arg8[%dma_wait3A_118, %dma_wait3A_119] : memref<80x128xf32, #tpu.memory_space<vmem>> -> memref<40x128xf32, #tpu.memory_space<vmem>>
      %dma_wait3A_121 = arith.constant 40 : i32
      %dma_wait3A_122 = tpu.memref_slice %arg6[%dma_wait3A_117, %dma_wait3A_121] : memref<64x80xi32, #tpu.memory_space<vmem>> -> memref<1x40xi32, #tpu.memory_space<vmem>>
      %dma_wait3A_123 = tpu.memref_squeeze %dma_wait3A_122 : memref<1x40xi32, #tpu.memory_space<vmem>> -> memref<40xi32, #tpu.memory_space<vmem>>
      %dma_wait3A_124 = arith.constant 0 : i32
      %dma_wait3A_125 = arith.constant 0 : i32
      %dma_wait3A_126 = tpu.memref_slice %arg2[%dma_wait3A_124, %dma_wait3A_125] : memref<10000x128xf32, #tpu.memory_space<hbm>> -> memref<10000x128xf32, #tpu.memory_space<hbm>>
      tpu.wait_indirect_dma semaphore(%arg12 : memref<!tpu.dma_semaphore, #tpu.memory_space<semaphore_mem>>) src(%dma_wait3A_126 : memref<10000x128xf32, #tpu.memory_space<hbm>>) dst(%dma_wait3A_120 : memref<40x128xf32, #tpu.memory_space<vmem>>)
      "tpu.region"() ({
        %run_scoped3A_153 = tpu.sem_alloc : memref<!tpu.dma_semaphore, #tpu.memory_space<semaphore_mem>>
        %dma_start3A_154 = arith.constant 0 : i32
        %dma_start3A_155 = tpu.memref_slice %arg7[%add3A_86, %dma_start3A_154] : memref<64x80xi32, #tpu.memory_space<vmem>> -> memref<1x80xi32, #tpu.memory_space<vmem>>
        %dma_start3A_156 = tpu.memref_squeeze %dma_start3A_155 : memref<1x80xi32, #tpu.memory_space<vmem>> -> memref<80xi32, #tpu.memory_space<vmem>>
        %dma_start3A_157 = arith.constant 0 : i32
        %dma_start3A_158 = arith.constant 0 : i32
        %dma_start3A_159 = tpu.memref_slice %arg10[%dma_start3A_157, %dma_start3A_158] : memref<10240x128xf32, #tpu.memory_space<vmem_shared>> -> memref<10240x128xf32, #tpu.memory_space<vmem_shared>>
        tpu.enqueue_indirect_dma source(%arg8 : memref<80x128xf32, #tpu.memory_space<vmem>>) target(%dma_start3A_159 : memref<10240x128xf32, #tpu.memory_space<vmem_shared>>) offsets(%dma_start3A_156 : memref<80xi32, #tpu.memory_space<vmem>>) semaphore(%run_scoped3A_153 : memref<!tpu.dma_semaphore, #tpu.memory_space<semaphore_mem>>) {add = true}
        %dma_wait3A_160 = arith.constant 0 : i32
        %dma_wait3A_161 = tpu.memref_slice %arg7[%add3A_86, %dma_wait3A_160] : memref<64x80xi32, #tpu.memory_space<vmem>> -> memref<1x80xi32, #tpu.memory_space<vmem>>
        %dma_wait3A_162 = tpu.memref_squeeze %dma_wait3A_161 : memref<1x80xi32, #tpu.memory_space<vmem>> -> memref<80xi32, #tpu.memory_space<vmem>>
        %dma_wait3A_163 = arith.constant 0 : i32
        %dma_wait3A_164 = arith.constant 0 : i32
        %dma_wait3A_165 = tpu.memref_slice %arg10[%dma_wait3A_163, %dma_wait3A_164] : memref<10240x128xf32, #tpu.memory_space<vmem_shared>> -> memref<10240x128xf32, #tpu.memory_space<vmem_shared>>
        tpu.wait_indirect_dma semaphore(%run_scoped3A_153 : memref<!tpu.dma_semaphore, #tpu.memory_space<semaphore_mem>>) src(%arg8 : memref<80x128xf32, #tpu.memory_space<vmem>>) dst(%dma_wait3A_165 : memref<10240x128xf32, #tpu.memory_space<vmem_shared>>)
        tpu.yield
      }) : () -> ()
      %add3A_127 = arith.constant 2 : i32
      %add3A_128 = arith.addi %add3A_86, %add3A_127 : i32
      %lt3A = arith.constant 61 : i32
      %lt3A_129 = arith.cmpi slt, %add3A_128, %lt3A : i32
      %convert_element_type3A = arith.extui %lt3A_129 : i1 to i32
      %cond3A = arith.constant 0 : i32
      %cond3A_130 = arith.cmpi ne, %convert_element_type3A, %cond3A : i32
      scf.if %cond3A_130 {
        %add3A_153 = arith.constant 2 : i32
        %add3A_154 = arith.addi %add3A_86, %add3A_153 : i32
        %dma_start3A_155 = arith.constant 0 : i32
        %dma_start3A_156 = arith.constant 0 : i32
        %dma_start3A_157 = tpu.memref_slice %arg8[%dma_start3A_155, %dma_start3A_156] : memref<80x128xf32, #tpu.memory_space<vmem>> -> memref<40x128xf32, #tpu.memory_space<vmem>>
        %dma_start3A_158 = arith.constant 0 : i32
        %dma_start3A_159 = tpu.memref_slice %arg6[%add3A_154, %dma_start3A_158] : memref<64x80xi32, #tpu.memory_space<vmem>> -> memref<1x40xi32, #tpu.memory_space<vmem>>
        %dma_start3A_160 = tpu.memref_squeeze %dma_start3A_159 : memref<1x40xi32, #tpu.memory_space<vmem>> -> memref<40xi32, #tpu.memory_space<vmem>>
        %dma_start3A_161 = arith.constant 0 : i32
        %dma_start3A_162 = arith.constant 0 : i32
        %dma_start3A_163 = tpu.memref_slice %arg2[%dma_start3A_161, %dma_start3A_162] : memref<10000x128xf32, #tpu.memory_space<hbm>> -> memref<10000x128xf32, #tpu.memory_space<hbm>>
        tpu.enqueue_indirect_dma source(%dma_start3A_163 : memref<10000x128xf32, #tpu.memory_space<hbm>>) target(%dma_start3A_157 : memref<40x128xf32, #tpu.memory_space<vmem>>) offsets(%dma_start3A_160 : memref<40xi32, #tpu.memory_space<vmem>>) semaphore(%arg11 : memref<!tpu.dma_semaphore, #tpu.memory_space<semaphore_mem>>)
        %dma_start3A_164 = arith.constant 40 : i32
        %dma_start3A_165 = arith.constant 0 : i32
        %dma_start3A_166 = tpu.memref_slice %arg8[%dma_start3A_164, %dma_start3A_165] : memref<80x128xf32, #tpu.memory_space<vmem>> -> memref<40x128xf32, #tpu.memory_space<vmem>>
        %dma_start3A_167 = arith.constant 40 : i32
        %dma_start3A_168 = tpu.memref_slice %arg6[%add3A_154, %dma_start3A_167] : memref<64x80xi32, #tpu.memory_space<vmem>> -> memref<1x40xi32, #tpu.memory_space<vmem>>
        %dma_start3A_169 = tpu.memref_squeeze %dma_start3A_168 : memref<1x40xi32, #tpu.memory_space<vmem>> -> memref<40xi32, #tpu.memory_space<vmem>>
        %dma_start3A_170 = arith.constant 0 : i32
        %dma_start3A_171 = arith.constant 0 : i32
        %dma_start3A_172 = tpu.memref_slice %arg2[%dma_start3A_170, %dma_start3A_171] : memref<10000x128xf32, #tpu.memory_space<hbm>> -> memref<10000x128xf32, #tpu.memory_space<hbm>>
        tpu.enqueue_indirect_dma source(%dma_start3A_172 : memref<10000x128xf32, #tpu.memory_space<hbm>>) target(%dma_start3A_166 : memref<40x128xf32, #tpu.memory_space<vmem>>) offsets(%dma_start3A_169 : memref<40xi32, #tpu.memory_space<vmem>>) semaphore(%arg12 : memref<!tpu.dma_semaphore, #tpu.memory_space<semaphore_mem>>)
      } else {
      }
      %dma_wait3A_131 = arith.constant 0 : i32
      %dma_wait3A_132 = arith.constant 0 : i32
      %dma_wait3A_133 = arith.constant 0 : i32
      %dma_wait3A_134 = tpu.memref_slice %arg9[%dma_wait3A_132, %dma_wait3A_133] : memref<80x128xf32, #tpu.memory_space<vmem>> -> memref<40x128xf32, #tpu.memory_space<vmem>>
      %dma_wait3A_135 = arith.constant 0 : i32
      %dma_wait3A_136 = tpu.memref_slice %arg6[%dma_wait3A_131, %dma_wait3A_135] : memref<64x80xi32, #tpu.memory_space<vmem>> -> memref<1x40xi32, #tpu.memory_space<vmem>>
      %dma_wait3A_137 = tpu.memref_squeeze %dma_wait3A_136 : memref<1x40xi32, #tpu.memory_space<vmem>> -> memref<40xi32, #tpu.memory_space<vmem>>
      %dma_wait3A_138 = arith.constant 0 : i32
      %dma_wait3A_139 = arith.constant 0 : i32
      %dma_wait3A_140 = tpu.memref_slice %arg2[%dma_wait3A_138, %dma_wait3A_139] : memref<10000x128xf32, #tpu.memory_space<hbm>> -> memref<10000x128xf32, #tpu.memory_space<hbm>>
      tpu.wait_indirect_dma semaphore(%arg13 : memref<!tpu.dma_semaphore, #tpu.memory_space<semaphore_mem>>) src(%dma_wait3A_140 : memref<10000x128xf32, #tpu.memory_space<hbm>>) dst(%dma_wait3A_134 : memref<40x128xf32, #tpu.memory_space<vmem>>)
      %dma_wait3A_141 = arith.constant 0 : i32
      %dma_wait3A_142 = arith.constant 40 : i32
      %dma_wait3A_143 = arith.constant 0 : i32
      %dma_wait3A_144 = tpu.memref_slice %arg9[%dma_wait3A_142, %dma_wait3A_143] : memref<80x128xf32, #tpu.memory_space<vmem>> -> memref<40x128xf32, #tpu.memory_space<vmem>>
      %dma_wait3A_145 = arith.constant 40 : i32
      %dma_wait3A_146 = tpu.memref_slice %arg6[%dma_wait3A_141, %dma_wait3A_145] : memref<64x80xi32, #tpu.memory_space<vmem>> -> memref<1x40xi32, #tpu.memory_space<vmem>>
      %dma_wait3A_147 = tpu.memref_squeeze %dma_wait3A_146 : memref<1x40xi32, #tpu.memory_space<vmem>> -> memref<40xi32, #tpu.memory_space<vmem>>
      %dma_wait3A_148 = arith.constant 0 : i32
      %dma_wait3A_149 = arith.constant 0 : i32
      %dma_wait3A_150 = tpu.memref_slice %arg2[%dma_wait3A_148, %dma_wait3A_149] : memref<10000x128xf32, #tpu.memory_space<hbm>> -> memref<10000x128xf32, #tpu.memory_space<hbm>>
      tpu.wait_indirect_dma semaphore(%arg14 : memref<!tpu.dma_semaphore, #tpu.memory_space<semaphore_mem>>) src(%dma_wait3A_150 : memref<10000x128xf32, #tpu.memory_space<hbm>>) dst(%dma_wait3A_144 : memref<40x128xf32, #tpu.memory_space<vmem>>)
      %add3A_151 = arith.constant 1 : i32
      %add3A_152 = arith.addi %add3A_86, %add3A_151 : i32
      "tpu.region"() ({
        %run_scoped3A_153 = tpu.sem_alloc : memref<!tpu.dma_semaphore, #tpu.memory_space<semaphore_mem>>
        %dma_start3A_154 = arith.constant 0 : i32
        %dma_start3A_155 = tpu.memref_slice %arg7[%add3A_152, %dma_start3A_154] : memref<64x80xi32, #tpu.memory_space<vmem>> -> memref<1x80xi32, #tpu.memory_space<vmem>>
        %dma_start3A_156 = tpu.memref_squeeze %dma_start3A_155 : memref<1x80xi32, #tpu.memory_space<vmem>> -> memref<80xi32, #tpu.memory_space<vmem>>
        %dma_start3A_157 = arith.constant 0 : i32
        %dma_start3A_158 = arith.constant 0 : i32
        %dma_start3A_159 = tpu.memref_slice %arg10[%dma_start3A_157, %dma_start3A_158] : memref<10240x128xf32, #tpu.memory_space<vmem_shared>> -> memref<10240x128xf32, #tpu.memory_space<vmem_shared>>
        tpu.enqueue_indirect_dma source(%arg9 : memref<80x128xf32, #tpu.memory_space<vmem>>) target(%dma_start3A_159 : memref<10240x128xf32, #tpu.memory_space<vmem_shared>>) offsets(%dma_start3A_156 : memref<80xi32, #tpu.memory_space<vmem>>) semaphore(%run_scoped3A_153 : memref<!tpu.dma_semaphore, #tpu.memory_space<semaphore_mem>>) {add = true}
        %dma_wait3A_160 = arith.constant 0 : i32
        %dma_wait3A_161 = tpu.memref_slice %arg7[%add3A_152, %dma_wait3A_160] : memref<64x80xi32, #tpu.memory_space<vmem>> -> memref<1x80xi32, #tpu.memory_space<vmem>>
        %dma_wait3A_162 = tpu.memref_squeeze %dma_wait3A_161 : memref<1x80xi32, #tpu.memory_space<vmem>> -> memref<80xi32, #tpu.memory_space<vmem>>
        %dma_wait3A_163 = arith.constant 0 : i32
        %dma_wait3A_164 = arith.constant 0 : i32
        %dma_wait3A_165 = tpu.memref_slice %arg10[%dma_wait3A_163, %dma_wait3A_164] : memref<10240x128xf32, #tpu.memory_space<vmem_shared>> -> memref<10240x128xf32, #tpu.memory_space<vmem_shared>>
        tpu.wait_indirect_dma semaphore(%run_scoped3A_153 : memref<!tpu.dma_semaphore, #tpu.memory_space<semaphore_mem>>) src(%arg9 : memref<80x128xf32, #tpu.memory_space<vmem>>) dst(%dma_wait3A_165 : memref<10240x128xf32, #tpu.memory_space<vmem_shared>>)
        tpu.yield
      }) : () -> ()
    }
    %scan3A_53 = arith.constant 30 : i32
    %dma_wait3A = arith.constant 0 : i32
    %dma_wait3A_54 = arith.constant 0 : i32
    %dma_wait3A_55 = arith.constant 0 : i32
    %dma_wait3A_56 = tpu.memref_slice %arg8[%dma_wait3A_54, %dma_wait3A_55] : memref<80x128xf32, #tpu.memory_space<vmem>> -> memref<40x128xf32, #tpu.memory_space<vmem>>
    %dma_wait3A_57 = arith.constant 0 : i32
    %dma_wait3A_58 = tpu.memref_slice %arg6[%dma_wait3A, %dma_wait3A_57] : memref<64x80xi32, #tpu.memory_space<vmem>> -> memref<1x40xi32, #tpu.memory_space<vmem>>
    %dma_wait3A_59 = tpu.memref_squeeze %dma_wait3A_58 : memref<1x40xi32, #tpu.memory_space<vmem>> -> memref<40xi32, #tpu.memory_space<vmem>>
    %dma_wait3A_60 = arith.constant 0 : i32
    %dma_wait3A_61 = arith.constant 0 : i32
    %dma_wait3A_62 = tpu.memref_slice %arg2[%dma_wait3A_60, %dma_wait3A_61] : memref<10000x128xf32, #tpu.memory_space<hbm>> -> memref<10000x128xf32, #tpu.memory_space<hbm>>
    tpu.wait_indirect_dma semaphore(%arg11 : memref<!tpu.dma_semaphore, #tpu.memory_space<semaphore_mem>>) src(%dma_wait3A_62 : memref<10000x128xf32, #tpu.memory_space<hbm>>) dst(%dma_wait3A_56 : memref<40x128xf32, #tpu.memory_space<vmem>>)
    %dma_wait3A_63 = arith.constant 0 : i32
    %dma_wait3A_64 = arith.constant 40 : i32
    %dma_wait3A_65 = arith.constant 0 : i32
    %dma_wait3A_66 = tpu.memref_slice %arg8[%dma_wait3A_64, %dma_wait3A_65] : memref<80x128xf32, #tpu.memory_space<vmem>> -> memref<40x128xf32, #tpu.memory_space<vmem>>
    %dma_wait3A_67 = arith.constant 40 : i32
    %dma_wait3A_68 = tpu.memref_slice %arg6[%dma_wait3A_63, %dma_wait3A_67] : memref<64x80xi32, #tpu.memory_space<vmem>> -> memref<1x40xi32, #tpu.memory_space<vmem>>
    %dma_wait3A_69 = tpu.memref_squeeze %dma_wait3A_68 : memref<1x40xi32, #tpu.memory_space<vmem>> -> memref<40xi32, #tpu.memory_space<vmem>>
    %dma_wait3A_70 = arith.constant 0 : i32
    %dma_wait3A_71 = arith.constant 0 : i32
    %dma_wait3A_72 = tpu.memref_slice %arg2[%dma_wait3A_70, %dma_wait3A_71] : memref<10000x128xf32, #tpu.memory_space<hbm>> -> memref<10000x128xf32, #tpu.memory_space<hbm>>
    tpu.wait_indirect_dma semaphore(%arg12 : memref<!tpu.dma_semaphore, #tpu.memory_space<semaphore_mem>>) src(%dma_wait3A_72 : memref<10000x128xf32, #tpu.memory_space<hbm>>) dst(%dma_wait3A_66 : memref<40x128xf32, #tpu.memory_space<vmem>>)
    %run_scoped3A_73 = arith.constant 60 : i32
    "tpu.region"() ({
      %run_scoped3A_82 = tpu.sem_alloc : memref<!tpu.dma_semaphore, #tpu.memory_space<semaphore_mem>>
      %dma_start3A_83 = arith.constant 0 : i32
      %dma_start3A_84 = tpu.memref_slice %arg7[%run_scoped3A_73, %dma_start3A_83] : memref<64x80xi32, #tpu.memory_space<vmem>> -> memref<1x80xi32, #tpu.memory_space<vmem>>
      %dma_start3A_85 = tpu.memref_squeeze %dma_start3A_84 : memref<1x80xi32, #tpu.memory_space<vmem>> -> memref<80xi32, #tpu.memory_space<vmem>>
      %dma_start3A_86 = arith.constant 0 : i32
      %dma_start3A_87 = arith.constant 0 : i32
      %dma_start3A_88 = tpu.memref_slice %arg10[%dma_start3A_86, %dma_start3A_87] : memref<10240x128xf32, #tpu.memory_space<vmem_shared>> -> memref<10240x128xf32, #tpu.memory_space<vmem_shared>>
      tpu.enqueue_indirect_dma source(%arg8 : memref<80x128xf32, #tpu.memory_space<vmem>>) target(%dma_start3A_88 : memref<10240x128xf32, #tpu.memory_space<vmem_shared>>) offsets(%dma_start3A_85 : memref<80xi32, #tpu.memory_space<vmem>>) semaphore(%run_scoped3A_82 : memref<!tpu.dma_semaphore, #tpu.memory_space<semaphore_mem>>) {add = true}
      %dma_wait3A_89 = arith.constant 0 : i32
      %dma_wait3A_90 = tpu.memref_slice %arg7[%run_scoped3A_73, %dma_wait3A_89] : memref<64x80xi32, #tpu.memory_space<vmem>> -> memref<1x80xi32, #tpu.memory_space<vmem>>
      %dma_wait3A_91 = tpu.memref_squeeze %dma_wait3A_90 : memref<1x80xi32, #tpu.memory_space<vmem>> -> memref<80xi32, #tpu.memory_space<vmem>>
      %dma_wait3A_92 = arith.constant 0 : i32
      %dma_wait3A_93 = arith.constant 0 : i32
      %dma_wait3A_94 = tpu.memref_slice %arg10[%dma_wait3A_92, %dma_wait3A_93] : memref<10240x128xf32, #tpu.memory_space<vmem_shared>> -> memref<10240x128xf32, #tpu.memory_space<vmem_shared>>
      tpu.wait_indirect_dma semaphore(%run_scoped3A_82 : memref<!tpu.dma_semaphore, #tpu.memory_space<semaphore_mem>>) src(%arg8 : memref<80x128xf32, #tpu.memory_space<vmem>>) dst(%dma_wait3A_94 : memref<10240x128xf32, #tpu.memory_space<vmem_shared>>)
      tpu.yield
    }) : () -> ()
    %barrier3A_74 = arith.constant 0 : index
    tpu.barrier barrier_id(%barrier3A_74)
    %mul3A_75 = arith.constant 640 : i32
    %mul3A_76 = arith.muli %arg1, %mul3A_75 : i32
    %mul3A_77 = arith.constant 10240 : i32
    %mul3A_78 = arith.muli %arg0, %mul3A_77 : i32
    %mul3A_79 = arith.constant 640 : i32
    %mul3A_80 = arith.muli %arg1, %mul3A_79 : i32
    %add3A_81 = arith.addi %mul3A_78, %mul3A_80 : i32
    "tpu.region"() ({
      %run_scoped3A_82 = tpu.sem_alloc : memref<!tpu.dma_semaphore, #tpu.memory_space<semaphore_mem>>
      %dma_start3A_83 = arith.constant 0 : i32
      %dma_start3A_84 = tpu.memref_slice %arg5[%add3A_81, %dma_start3A_83] : memref<20480x128xf32, #tpu.memory_space<hbm>> -> memref<640x128xf32, #tpu.memory_space<hbm>>
      %dma_start3A_85 = arith.constant 0 : i32
      %dma_start3A_86 = tpu.memref_slice %arg10[%mul3A_76, %dma_start3A_85] : memref<10240x128xf32, #tpu.memory_space<vmem_shared>> -> memref<640x128xf32, #tpu.memory_space<vmem_shared>>
      tpu.enqueue_dma source(%dma_start3A_86 : memref<640x128xf32, #tpu.memory_space<vmem_shared>>) target(%dma_start3A_84 : memref<640x128xf32, #tpu.memory_space<hbm>>) target_semaphore(%run_scoped3A_82 : memref<!tpu.dma_semaphore, #tpu.memory_space<semaphore_mem>>)
      %dma_wait3A_87 = arith.constant 0 : i32
      %dma_wait3A_88 = tpu.memref_slice %arg5[%add3A_81, %dma_wait3A_87] : memref<20480x128xf32, #tpu.memory_space<hbm>> -> memref<640x128xf32, #tpu.memory_space<hbm>>
      %dma_wait3A_89 = arith.constant 0 : i32
      %dma_wait3A_90 = tpu.memref_slice %arg10[%mul3A_76, %dma_wait3A_89] : memref<10240x128xf32, #tpu.memory_space<vmem_shared>> -> memref<640x128xf32, #tpu.memory_space<vmem_shared>>
      tpu.wait_dma2 semaphore(%run_scoped3A_82 : memref<!tpu.dma_semaphore, #tpu.memory_space<semaphore_mem>>) src(%dma_wait3A_90 : memref<640x128xf32, #tpu.memory_space<vmem_shared>>) dst(%dma_wait3A_88 : memref<640x128xf32, #tpu.memory_space<hbm>>)
      tpu.yield
    }) : () -> ()
    return
  }
}

#map = affine_map<(d0, d1) -> (0, 0)>
#map1 = affine_map<(d0, d1) -> (0, 0, 0, 0)>
module attributes {stable_mosaic.version = 14 : i64} {
  func.func @_sc_aggregate(%arg0: i32, %arg1: i32, %arg2: memref<10000x128xf32, #tpu.memory_space<hbm>>, %arg3: memref<2x32x125x80xi32, #tpu.memory_space<hbm>>, %arg4: memref<640x128xf32, #tpu.memory_space<hbm>>, %arg5: memref<20480x128xf32, #tpu.memory_space<hbm>>, %arg6: memref<64x80xi32, #tpu.memory_space<vmem>>, %arg7: memref<64x80xi32, #tpu.memory_space<vmem>>, %arg8: memref<80x128xf32, #tpu.memory_space<vmem>>, %arg9: memref<80x128xf32, #tpu.memory_space<vmem>>, %arg10: memref<10240x128xf32, #tpu.memory_space<vmem_shared>>, %arg11: memref<!tpu.dma_semaphore, #tpu.memory_space<semaphore_mem>>, %arg12: memref<!tpu.dma_semaphore, #tpu.memory_space<semaphore_mem>>, %arg13: memref<!tpu.dma_semaphore, #tpu.memory_space<semaphore_mem>>, %arg14: memref<!tpu.dma_semaphore, #tpu.memory_space<semaphore_mem>>) attributes {dimension_semantics = [#tpu.dimension_semantics<core_parallel>, #tpu.dimension_semantics<subcore_parallel>], iteration_bounds = array<i64: 2, 16>, scalar_prefetch = 0 : i64, scratch_operands = 9 : i64, tpu.core_type = #tpu.core_type<sc_vector_subcore>, window_params = [{transform_indices = #map}, {transform_indices = #map1}, {transform_indices = #map}, {transform_indices = #map}]} {
    %mul3A = arith.constant 16 : i32
    %mul3A_0 = arith.muli %arg0, %mul3A : i32
    %add3A = arith.addi %mul3A_0, %arg1 : i32
    %run_scoped3A = arith.constant 0 : i32
    "tpu.region"() ({
      %run_scoped3A_82 = tpu.sem_alloc : memref<!tpu.dma_semaphore, #tpu.memory_space<semaphore_mem>>
      %dma_start3A_83 = arith.constant 0 : i32
      %dma_start3A_84 = arith.constant 0 : i32
      %dma_start3A_85 = tpu.memref_slice %arg3[%run_scoped3A, %add3A, %dma_start3A_83, %dma_start3A_84] : memref<2x32x125x80xi32, #tpu.memory_space<hbm>> -> memref<1x1x64x80xi32, #tpu.memory_space<hbm>>
      %dma_start3A_86 = tpu.memref_squeeze %dma_start3A_85 : memref<1x1x64x80xi32, #tpu.memory_space<hbm>> -> memref<64x80xi32, #tpu.memory_space<hbm>>
      %dma_start3A_87 = arith.constant 0 : i32
      %dma_start3A_88 = arith.constant 0 : i32
      %dma_start3A_89 = tpu.memref_slice %arg3[%run_scoped3A, %add3A, %dma_start3A_87, %dma_start3A_88] : memref<2x32x125x80xi32, #tpu.memory_space<hbm>> -> memref<1x1x64x80xi32, #tpu.memory_space<hbm>>
      %dma_start3A_90 = tpu.memref_squeeze %dma_start3A_89 : memref<1x1x64x80xi32, #tpu.memory_space<hbm>> -> memref<64x80xi32, #tpu.memory_space<hbm>>
      tpu.enqueue_dma source(%dma_start3A_90 : memref<64x80xi32, #tpu.memory_space<hbm>>) target(%arg6 : memref<64x80xi32, #tpu.memory_space<vmem>>) target_semaphore(%run_scoped3A_82 : memref<!tpu.dma_semaphore, #tpu.memory_space<semaphore_mem>>)
      %dma_wait3A_91 = arith.constant 0 : i32
      %dma_wait3A_92 = arith.constant 0 : i32
      %dma_wait3A_93 = tpu.memref_slice %arg3[%run_scoped3A, %add3A, %dma_wait3A_91, %dma_wait3A_92] : memref<2x32x125x80xi32, #tpu.memory_space<hbm>> -> memref<1x1x64x80xi32, #tpu.memory_space<hbm>>
      %dma_wait3A_94 = tpu.memref_squeeze %dma_wait3A_93 : memref<1x1x64x80xi32, #tpu.memory_space<hbm>> -> memref<64x80xi32, #tpu.memory_space<hbm>>
      %dma_wait3A_95 = arith.constant 0 : i32
      %dma_wait3A_96 = arith.constant 0 : i32
      %dma_wait3A_97 = tpu.memref_slice %arg3[%run_scoped3A, %add3A, %dma_wait3A_95, %dma_wait3A_96] : memref<2x32x125x80xi32, #tpu.memory_space<hbm>> -> memref<1x1x64x80xi32, #tpu.memory_space<hbm>>
      %dma_wait3A_98 = tpu.memref_squeeze %dma_wait3A_97 : memref<1x1x64x80xi32, #tpu.memory_space<hbm>> -> memref<64x80xi32, #tpu.memory_space<hbm>>
      tpu.wait_dma2 semaphore(%run_scoped3A_82 : memref<!tpu.dma_semaphore, #tpu.memory_space<semaphore_mem>>) src(%dma_wait3A_98 : memref<64x80xi32, #tpu.memory_space<hbm>>) dst(%arg6 : memref<64x80xi32, #tpu.memory_space<vmem>>)
      tpu.yield
    }) : () -> ()
    %run_scoped3A_1 = arith.constant 1 : i32
    "tpu.region"() ({
      %run_scoped3A_82 = tpu.sem_alloc : memref<!tpu.dma_semaphore, #tpu.memory_space<semaphore_mem>>
      %dma_start3A_83 = arith.constant 0 : i32
      %dma_start3A_84 = arith.constant 0 : i32
      %dma_start3A_85 = tpu.memref_slice %arg3[%run_scoped3A_1, %add3A, %dma_start3A_83, %dma_start3A_84] : memref<2x32x125x80xi32, #tpu.memory_space<hbm>> -> memref<1x1x64x80xi32, #tpu.memory_space<hbm>>
      %dma_start3A_86 = tpu.memref_squeeze %dma_start3A_85 : memref<1x1x64x80xi32, #tpu.memory_space<hbm>> -> memref<64x80xi32, #tpu.memory_space<hbm>>
      %dma_start3A_87 = arith.constant 0 : i32
      %dma_start3A_88 = arith.constant 0 : i32
      %dma_start3A_89 = tpu.memref_slice %arg3[%run_scoped3A_1, %add3A, %dma_start3A_87, %dma_start3A_88] : memref<2x32x125x80xi32, #tpu.memory_space<hbm>> -> memref<1x1x64x80xi32, #tpu.memory_space<hbm>>
      %dma_start3A_90 = tpu.memref_squeeze %dma_start3A_89 : memref<1x1x64x80xi32, #tpu.memory_space<hbm>> -> memref<64x80xi32, #tpu.memory_space<hbm>>
      tpu.enqueue_dma source(%dma_start3A_90 : memref<64x80xi32, #tpu.memory_space<hbm>>) target(%arg7 : memref<64x80xi32, #tpu.memory_space<vmem>>) target_semaphore(%run_scoped3A_82 : memref<!tpu.dma_semaphore, #tpu.memory_space<semaphore_mem>>)
      %dma_wait3A_91 = arith.constant 0 : i32
      %dma_wait3A_92 = arith.constant 0 : i32
      %dma_wait3A_93 = tpu.memref_slice %arg3[%run_scoped3A_1, %add3A, %dma_wait3A_91, %dma_wait3A_92] : memref<2x32x125x80xi32, #tpu.memory_space<hbm>> -> memref<1x1x64x80xi32, #tpu.memory_space<hbm>>
      %dma_wait3A_94 = tpu.memref_squeeze %dma_wait3A_93 : memref<1x1x64x80xi32, #tpu.memory_space<hbm>> -> memref<64x80xi32, #tpu.memory_space<hbm>>
      %dma_wait3A_95 = arith.constant 0 : i32
      %dma_wait3A_96 = arith.constant 0 : i32
      %dma_wait3A_97 = tpu.memref_slice %arg3[%run_scoped3A_1, %add3A, %dma_wait3A_95, %dma_wait3A_96] : memref<2x32x125x80xi32, #tpu.memory_space<hbm>> -> memref<1x1x64x80xi32, #tpu.memory_space<hbm>>
      %dma_wait3A_98 = tpu.memref_squeeze %dma_wait3A_97 : memref<1x1x64x80xi32, #tpu.memory_space<hbm>> -> memref<64x80xi32, #tpu.memory_space<hbm>>
      tpu.wait_dma2 semaphore(%run_scoped3A_82 : memref<!tpu.dma_semaphore, #tpu.memory_space<semaphore_mem>>) src(%dma_wait3A_98 : memref<64x80xi32, #tpu.memory_space<hbm>>) dst(%arg7 : memref<64x80xi32, #tpu.memory_space<vmem>>)
      tpu.yield
    }) : () -> ()
    %dma_start3A = arith.constant 0 : i32
    %dma_start3A_2 = arith.constant 0 : i32
    %dma_start3A_3 = arith.constant 0 : i32
    %dma_start3A_4 = tpu.memref_slice %arg8[%dma_start3A_2, %dma_start3A_3] : memref<80x128xf32, #tpu.memory_space<vmem>> -> memref<40x128xf32, #tpu.memory_space<vmem>>
    %dma_start3A_5 = arith.constant 0 : i32
    %dma_start3A_6 = tpu.memref_slice %arg6[%dma_start3A, %dma_start3A_5] : memref<64x80xi32, #tpu.memory_space<vmem>> -> memref<1x40xi32, #tpu.memory_space<vmem>>
    %dma_start3A_7 = tpu.memref_squeeze %dma_start3A_6 : memref<1x40xi32, #tpu.memory_space<vmem>> -> memref<40xi32, #tpu.memory_space<vmem>>
    %dma_start3A_8 = arith.constant 0 : i32
    %dma_start3A_9 = arith.constant 0 : i32
    %dma_start3A_10 = tpu.memref_slice %arg2[%dma_start3A_8, %dma_start3A_9] : memref<10000x128xf32, #tpu.memory_space<hbm>> -> memref<10000x128xf32, #tpu.memory_space<hbm>>
    tpu.enqueue_indirect_dma source(%dma_start3A_10 : memref<10000x128xf32, #tpu.memory_space<hbm>>) target(%dma_start3A_4 : memref<40x128xf32, #tpu.memory_space<vmem>>) offsets(%dma_start3A_7 : memref<40xi32, #tpu.memory_space<vmem>>) semaphore(%arg11 : memref<!tpu.dma_semaphore, #tpu.memory_space<semaphore_mem>>)
    %dma_start3A_11 = arith.constant 0 : i32
    %dma_start3A_12 = arith.constant 40 : i32
    %dma_start3A_13 = arith.constant 0 : i32
    %dma_start3A_14 = tpu.memref_slice %arg8[%dma_start3A_12, %dma_start3A_13] : memref<80x128xf32, #tpu.memory_space<vmem>> -> memref<40x128xf32, #tpu.memory_space<vmem>>
    %dma_start3A_15 = arith.constant 40 : i32
    %dma_start3A_16 = tpu.memref_slice %arg6[%dma_start3A_11, %dma_start3A_15] : memref<64x80xi32, #tpu.memory_space<vmem>> -> memref<1x40xi32, #tpu.memory_space<vmem>>
    %dma_start3A_17 = tpu.memref_squeeze %dma_start3A_16 : memref<1x40xi32, #tpu.memory_space<vmem>> -> memref<40xi32, #tpu.memory_space<vmem>>
    %dma_start3A_18 = arith.constant 0 : i32
    %dma_start3A_19 = arith.constant 0 : i32
    %dma_start3A_20 = tpu.memref_slice %arg2[%dma_start3A_18, %dma_start3A_19] : memref<10000x128xf32, #tpu.memory_space<hbm>> -> memref<10000x128xf32, #tpu.memory_space<hbm>>
    tpu.enqueue_indirect_dma source(%dma_start3A_20 : memref<10000x128xf32, #tpu.memory_space<hbm>>) target(%dma_start3A_14 : memref<40x128xf32, #tpu.memory_space<vmem>>) offsets(%dma_start3A_17 : memref<40xi32, #tpu.memory_space<vmem>>) semaphore(%arg12 : memref<!tpu.dma_semaphore, #tpu.memory_space<semaphore_mem>>)
    %mul3A_21 = arith.constant 640 : i32
    %mul3A_22 = arith.muli %arg1, %mul3A_21 : i32
    "tpu.region"() ({
      %run_scoped3A_82 = tpu.sem_alloc : memref<!tpu.dma_semaphore, #tpu.memory_space<semaphore_mem>>
      %dma_start3A_83 = arith.constant 0 : i32
      %dma_start3A_84 = tpu.memref_slice %arg10[%mul3A_22, %dma_start3A_83] : memref<10240x128xf32, #tpu.memory_space<vmem_shared>> -> memref<640x128xf32, #tpu.memory_space<vmem_shared>>
      tpu.enqueue_dma source(%arg4 : memref<640x128xf32, #tpu.memory_space<hbm>>) target(%dma_start3A_84 : memref<640x128xf32, #tpu.memory_space<vmem_shared>>) target_semaphore(%run_scoped3A_82 : memref<!tpu.dma_semaphore, #tpu.memory_space<semaphore_mem>>)
      %dma_wait3A_85 = arith.constant 0 : i32
      %dma_wait3A_86 = tpu.memref_slice %arg10[%mul3A_22, %dma_wait3A_85] : memref<10240x128xf32, #tpu.memory_space<vmem_shared>> -> memref<640x128xf32, #tpu.memory_space<vmem_shared>>
      tpu.wait_dma2 semaphore(%run_scoped3A_82 : memref<!tpu.dma_semaphore, #tpu.memory_space<semaphore_mem>>) src(%arg4 : memref<640x128xf32, #tpu.memory_space<hbm>>) dst(%dma_wait3A_86 : memref<640x128xf32, #tpu.memory_space<vmem_shared>>)
      tpu.yield
    }) : () -> ()
    %barrier3A = arith.constant 0 : index
    tpu.barrier barrier_id(%barrier3A)
    %scan3A = arith.constant 0 : i32
    %scan3A_23 = arith.constant 32 : i32
    %scan3A_24 = arith.addi %scan3A, %scan3A_23 : i32
    %scan3A_25 = arith.constant 1 : i32
    scf.for %scan3A_82 = %scan3A to %scan3A_24 step %scan3A_25  : i32 {
      %mul3A_83 = arith.constant 2 : i32
      %mul3A_84 = arith.muli %scan3A_82, %mul3A_83 : i32
      %add3A_85 = arith.constant 0 : i32
      %add3A_86 = arith.addi %add3A_85, %mul3A_84 : i32
      %add3A_87 = arith.constant 1 : i32
      %add3A_88 = arith.addi %add3A_86, %add3A_87 : i32
      %dma_start3A_89 = arith.constant 0 : i32
      %dma_start3A_90 = arith.constant 0 : i32
      %dma_start3A_91 = tpu.memref_slice %arg9[%dma_start3A_89, %dma_start3A_90] : memref<80x128xf32, #tpu.memory_space<vmem>> -> memref<40x128xf32, #tpu.memory_space<vmem>>
      %dma_start3A_92 = arith.constant 0 : i32
      %dma_start3A_93 = tpu.memref_slice %arg6[%add3A_88, %dma_start3A_92] : memref<64x80xi32, #tpu.memory_space<vmem>> -> memref<1x40xi32, #tpu.memory_space<vmem>>
      %dma_start3A_94 = tpu.memref_squeeze %dma_start3A_93 : memref<1x40xi32, #tpu.memory_space<vmem>> -> memref<40xi32, #tpu.memory_space<vmem>>
      %dma_start3A_95 = arith.constant 0 : i32
      %dma_start3A_96 = arith.constant 0 : i32
      %dma_start3A_97 = tpu.memref_slice %arg2[%dma_start3A_95, %dma_start3A_96] : memref<10000x128xf32, #tpu.memory_space<hbm>> -> memref<10000x128xf32, #tpu.memory_space<hbm>>
      tpu.enqueue_indirect_dma source(%dma_start3A_97 : memref<10000x128xf32, #tpu.memory_space<hbm>>) target(%dma_start3A_91 : memref<40x128xf32, #tpu.memory_space<vmem>>) offsets(%dma_start3A_94 : memref<40xi32, #tpu.memory_space<vmem>>) semaphore(%arg13 : memref<!tpu.dma_semaphore, #tpu.memory_space<semaphore_mem>>)
      %dma_start3A_98 = arith.constant 40 : i32
      %dma_start3A_99 = arith.constant 0 : i32
      %dma_start3A_100 = tpu.memref_slice %arg9[%dma_start3A_98, %dma_start3A_99] : memref<80x128xf32, #tpu.memory_space<vmem>> -> memref<40x128xf32, #tpu.memory_space<vmem>>
      %dma_start3A_101 = arith.constant 40 : i32
      %dma_start3A_102 = tpu.memref_slice %arg6[%add3A_88, %dma_start3A_101] : memref<64x80xi32, #tpu.memory_space<vmem>> -> memref<1x40xi32, #tpu.memory_space<vmem>>
      %dma_start3A_103 = tpu.memref_squeeze %dma_start3A_102 : memref<1x40xi32, #tpu.memory_space<vmem>> -> memref<40xi32, #tpu.memory_space<vmem>>
      %dma_start3A_104 = arith.constant 0 : i32
      %dma_start3A_105 = arith.constant 0 : i32
      %dma_start3A_106 = tpu.memref_slice %arg2[%dma_start3A_104, %dma_start3A_105] : memref<10000x128xf32, #tpu.memory_space<hbm>> -> memref<10000x128xf32, #tpu.memory_space<hbm>>
      tpu.enqueue_indirect_dma source(%dma_start3A_106 : memref<10000x128xf32, #tpu.memory_space<hbm>>) target(%dma_start3A_100 : memref<40x128xf32, #tpu.memory_space<vmem>>) offsets(%dma_start3A_103 : memref<40xi32, #tpu.memory_space<vmem>>) semaphore(%arg14 : memref<!tpu.dma_semaphore, #tpu.memory_space<semaphore_mem>>)
      %dma_wait3A_107 = arith.constant 0 : i32
      %dma_wait3A_108 = arith.constant 0 : i32
      %dma_wait3A_109 = arith.constant 0 : i32
      %dma_wait3A_110 = tpu.memref_slice %arg8[%dma_wait3A_108, %dma_wait3A_109] : memref<80x128xf32, #tpu.memory_space<vmem>> -> memref<40x128xf32, #tpu.memory_space<vmem>>
      %dma_wait3A_111 = arith.constant 0 : i32
      %dma_wait3A_112 = tpu.memref_slice %arg6[%dma_wait3A_107, %dma_wait3A_111] : memref<64x80xi32, #tpu.memory_space<vmem>> -> memref<1x40xi32, #tpu.memory_space<vmem>>
      %dma_wait3A_113 = tpu.memref_squeeze %dma_wait3A_112 : memref<1x40xi32, #tpu.memory_space<vmem>> -> memref<40xi32, #tpu.memory_space<vmem>>
      %dma_wait3A_114 = arith.constant 0 : i32
      %dma_wait3A_115 = arith.constant 0 : i32
      %dma_wait3A_116 = tpu.memref_slice %arg2[%dma_wait3A_114, %dma_wait3A_115] : memref<10000x128xf32, #tpu.memory_space<hbm>> -> memref<10000x128xf32, #tpu.memory_space<hbm>>
      tpu.wait_indirect_dma semaphore(%arg11 : memref<!tpu.dma_semaphore, #tpu.memory_space<semaphore_mem>>) src(%dma_wait3A_116 : memref<10000x128xf32, #tpu.memory_space<hbm>>) dst(%dma_wait3A_110 : memref<40x128xf32, #tpu.memory_space<vmem>>)
      %dma_wait3A_117 = arith.constant 0 : i32
      %dma_wait3A_118 = arith.constant 40 : i32
      %dma_wait3A_119 = arith.constant 0 : i32
      %dma_wait3A_120 = tpu.memref_slice %arg8[%dma_wait3A_118, %dma_wait3A_119] : memref<80x128xf32, #tpu.memory_space<vmem>> -> memref<40x128xf32, #tpu.memory_space<vmem>>
      %dma_wait3A_121 = arith.constant 40 : i32
      %dma_wait3A_122 = tpu.memref_slice %arg6[%dma_wait3A_117, %dma_wait3A_121] : memref<64x80xi32, #tpu.memory_space<vmem>> -> memref<1x40xi32, #tpu.memory_space<vmem>>
      %dma_wait3A_123 = tpu.memref_squeeze %dma_wait3A_122 : memref<1x40xi32, #tpu.memory_space<vmem>> -> memref<40xi32, #tpu.memory_space<vmem>>
      %dma_wait3A_124 = arith.constant 0 : i32
      %dma_wait3A_125 = arith.constant 0 : i32
      %dma_wait3A_126 = tpu.memref_slice %arg2[%dma_wait3A_124, %dma_wait3A_125] : memref<10000x128xf32, #tpu.memory_space<hbm>> -> memref<10000x128xf32, #tpu.memory_space<hbm>>
      tpu.wait_indirect_dma semaphore(%arg12 : memref<!tpu.dma_semaphore, #tpu.memory_space<semaphore_mem>>) src(%dma_wait3A_126 : memref<10000x128xf32, #tpu.memory_space<hbm>>) dst(%dma_wait3A_120 : memref<40x128xf32, #tpu.memory_space<vmem>>)
      "tpu.region"() ({
        %run_scoped3A_153 = tpu.sem_alloc : memref<!tpu.dma_semaphore, #tpu.memory_space<semaphore_mem>>
        %dma_start3A_154 = arith.constant 0 : i32
        %dma_start3A_155 = tpu.memref_slice %arg7[%add3A_86, %dma_start3A_154] : memref<64x80xi32, #tpu.memory_space<vmem>> -> memref<1x80xi32, #tpu.memory_space<vmem>>
        %dma_start3A_156 = tpu.memref_squeeze %dma_start3A_155 : memref<1x80xi32, #tpu.memory_space<vmem>> -> memref<80xi32, #tpu.memory_space<vmem>>
        %dma_start3A_157 = arith.constant 0 : i32
        %dma_start3A_158 = arith.constant 0 : i32
        %dma_start3A_159 = tpu.memref_slice %arg10[%dma_start3A_157, %dma_start3A_158] : memref<10240x128xf32, #tpu.memory_space<vmem_shared>> -> memref<10240x128xf32, #tpu.memory_space<vmem_shared>>
        tpu.enqueue_indirect_dma source(%arg8 : memref<80x128xf32, #tpu.memory_space<vmem>>) target(%dma_start3A_159 : memref<10240x128xf32, #tpu.memory_space<vmem_shared>>) offsets(%dma_start3A_156 : memref<80xi32, #tpu.memory_space<vmem>>) semaphore(%run_scoped3A_153 : memref<!tpu.dma_semaphore, #tpu.memory_space<semaphore_mem>>) {add = true}
        %dma_wait3A_160 = arith.constant 0 : i32
        %dma_wait3A_161 = tpu.memref_slice %arg7[%add3A_86, %dma_wait3A_160] : memref<64x80xi32, #tpu.memory_space<vmem>> -> memref<1x80xi32, #tpu.memory_space<vmem>>
        %dma_wait3A_162 = tpu.memref_squeeze %dma_wait3A_161 : memref<1x80xi32, #tpu.memory_space<vmem>> -> memref<80xi32, #tpu.memory_space<vmem>>
        %dma_wait3A_163 = arith.constant 0 : i32
        %dma_wait3A_164 = arith.constant 0 : i32
        %dma_wait3A_165 = tpu.memref_slice %arg10[%dma_wait3A_163, %dma_wait3A_164] : memref<10240x128xf32, #tpu.memory_space<vmem_shared>> -> memref<10240x128xf32, #tpu.memory_space<vmem_shared>>
        tpu.wait_indirect_dma semaphore(%run_scoped3A_153 : memref<!tpu.dma_semaphore, #tpu.memory_space<semaphore_mem>>) src(%arg8 : memref<80x128xf32, #tpu.memory_space<vmem>>) dst(%dma_wait3A_165 : memref<10240x128xf32, #tpu.memory_space<vmem_shared>>)
        tpu.yield
      }) : () -> ()
      %add3A_127 = arith.constant 2 : i32
      %add3A_128 = arith.addi %add3A_86, %add3A_127 : i32
      %lt3A = arith.constant 64 : i32
      %lt3A_129 = arith.cmpi slt, %add3A_128, %lt3A : i32
      %convert_element_type3A = arith.extui %lt3A_129 : i1 to i32
      %cond3A = arith.constant 0 : i32
      %cond3A_130 = arith.cmpi ne, %convert_element_type3A, %cond3A : i32
      scf.if %cond3A_130 {
        %add3A_153 = arith.constant 2 : i32
        %add3A_154 = arith.addi %add3A_86, %add3A_153 : i32
        %dma_start3A_155 = arith.constant 0 : i32
        %dma_start3A_156 = arith.constant 0 : i32
        %dma_start3A_157 = tpu.memref_slice %arg8[%dma_start3A_155, %dma_start3A_156] : memref<80x128xf32, #tpu.memory_space<vmem>> -> memref<40x128xf32, #tpu.memory_space<vmem>>
        %dma_start3A_158 = arith.constant 0 : i32
        %dma_start3A_159 = tpu.memref_slice %arg6[%add3A_154, %dma_start3A_158] : memref<64x80xi32, #tpu.memory_space<vmem>> -> memref<1x40xi32, #tpu.memory_space<vmem>>
        %dma_start3A_160 = tpu.memref_squeeze %dma_start3A_159 : memref<1x40xi32, #tpu.memory_space<vmem>> -> memref<40xi32, #tpu.memory_space<vmem>>
        %dma_start3A_161 = arith.constant 0 : i32
        %dma_start3A_162 = arith.constant 0 : i32
        %dma_start3A_163 = tpu.memref_slice %arg2[%dma_start3A_161, %dma_start3A_162] : memref<10000x128xf32, #tpu.memory_space<hbm>> -> memref<10000x128xf32, #tpu.memory_space<hbm>>
        tpu.enqueue_indirect_dma source(%dma_start3A_163 : memref<10000x128xf32, #tpu.memory_space<hbm>>) target(%dma_start3A_157 : memref<40x128xf32, #tpu.memory_space<vmem>>) offsets(%dma_start3A_160 : memref<40xi32, #tpu.memory_space<vmem>>) semaphore(%arg11 : memref<!tpu.dma_semaphore, #tpu.memory_space<semaphore_mem>>)
        %dma_start3A_164 = arith.constant 40 : i32
        %dma_start3A_165 = arith.constant 0 : i32
        %dma_start3A_166 = tpu.memref_slice %arg8[%dma_start3A_164, %dma_start3A_165] : memref<80x128xf32, #tpu.memory_space<vmem>> -> memref<40x128xf32, #tpu.memory_space<vmem>>
        %dma_start3A_167 = arith.constant 40 : i32
        %dma_start3A_168 = tpu.memref_slice %arg6[%add3A_154, %dma_start3A_167] : memref<64x80xi32, #tpu.memory_space<vmem>> -> memref<1x40xi32, #tpu.memory_space<vmem>>
        %dma_start3A_169 = tpu.memref_squeeze %dma_start3A_168 : memref<1x40xi32, #tpu.memory_space<vmem>> -> memref<40xi32, #tpu.memory_space<vmem>>
        %dma_start3A_170 = arith.constant 0 : i32
        %dma_start3A_171 = arith.constant 0 : i32
        %dma_start3A_172 = tpu.memref_slice %arg2[%dma_start3A_170, %dma_start3A_171] : memref<10000x128xf32, #tpu.memory_space<hbm>> -> memref<10000x128xf32, #tpu.memory_space<hbm>>
        tpu.enqueue_indirect_dma source(%dma_start3A_172 : memref<10000x128xf32, #tpu.memory_space<hbm>>) target(%dma_start3A_166 : memref<40x128xf32, #tpu.memory_space<vmem>>) offsets(%dma_start3A_169 : memref<40xi32, #tpu.memory_space<vmem>>) semaphore(%arg12 : memref<!tpu.dma_semaphore, #tpu.memory_space<semaphore_mem>>)
      } else {
      }
      %dma_wait3A_131 = arith.constant 0 : i32
      %dma_wait3A_132 = arith.constant 0 : i32
      %dma_wait3A_133 = arith.constant 0 : i32
      %dma_wait3A_134 = tpu.memref_slice %arg9[%dma_wait3A_132, %dma_wait3A_133] : memref<80x128xf32, #tpu.memory_space<vmem>> -> memref<40x128xf32, #tpu.memory_space<vmem>>
      %dma_wait3A_135 = arith.constant 0 : i32
      %dma_wait3A_136 = tpu.memref_slice %arg6[%dma_wait3A_131, %dma_wait3A_135] : memref<64x80xi32, #tpu.memory_space<vmem>> -> memref<1x40xi32, #tpu.memory_space<vmem>>
      %dma_wait3A_137 = tpu.memref_squeeze %dma_wait3A_136 : memref<1x40xi32, #tpu.memory_space<vmem>> -> memref<40xi32, #tpu.memory_space<vmem>>
      %dma_wait3A_138 = arith.constant 0 : i32
      %dma_wait3A_139 = arith.constant 0 : i32
      %dma_wait3A_140 = tpu.memref_slice %arg2[%dma_wait3A_138, %dma_wait3A_139] : memref<10000x128xf32, #tpu.memory_space<hbm>> -> memref<10000x128xf32, #tpu.memory_space<hbm>>
      tpu.wait_indirect_dma semaphore(%arg13 : memref<!tpu.dma_semaphore, #tpu.memory_space<semaphore_mem>>) src(%dma_wait3A_140 : memref<10000x128xf32, #tpu.memory_space<hbm>>) dst(%dma_wait3A_134 : memref<40x128xf32, #tpu.memory_space<vmem>>)
      %dma_wait3A_141 = arith.constant 0 : i32
      %dma_wait3A_142 = arith.constant 40 : i32
      %dma_wait3A_143 = arith.constant 0 : i32
      %dma_wait3A_144 = tpu.memref_slice %arg9[%dma_wait3A_142, %dma_wait3A_143] : memref<80x128xf32, #tpu.memory_space<vmem>> -> memref<40x128xf32, #tpu.memory_space<vmem>>
      %dma_wait3A_145 = arith.constant 40 : i32
      %dma_wait3A_146 = tpu.memref_slice %arg6[%dma_wait3A_141, %dma_wait3A_145] : memref<64x80xi32, #tpu.memory_space<vmem>> -> memref<1x40xi32, #tpu.memory_space<vmem>>
      %dma_wait3A_147 = tpu.memref_squeeze %dma_wait3A_146 : memref<1x40xi32, #tpu.memory_space<vmem>> -> memref<40xi32, #tpu.memory_space<vmem>>
      %dma_wait3A_148 = arith.constant 0 : i32
      %dma_wait3A_149 = arith.constant 0 : i32
      %dma_wait3A_150 = tpu.memref_slice %arg2[%dma_wait3A_148, %dma_wait3A_149] : memref<10000x128xf32, #tpu.memory_space<hbm>> -> memref<10000x128xf32, #tpu.memory_space<hbm>>
      tpu.wait_indirect_dma semaphore(%arg14 : memref<!tpu.dma_semaphore, #tpu.memory_space<semaphore_mem>>) src(%dma_wait3A_150 : memref<10000x128xf32, #tpu.memory_space<hbm>>) dst(%dma_wait3A_144 : memref<40x128xf32, #tpu.memory_space<vmem>>)
      %add3A_151 = arith.constant 1 : i32
      %add3A_152 = arith.addi %add3A_86, %add3A_151 : i32
      "tpu.region"() ({
        %run_scoped3A_153 = tpu.sem_alloc : memref<!tpu.dma_semaphore, #tpu.memory_space<semaphore_mem>>
        %dma_start3A_154 = arith.constant 0 : i32
        %dma_start3A_155 = tpu.memref_slice %arg7[%add3A_152, %dma_start3A_154] : memref<64x80xi32, #tpu.memory_space<vmem>> -> memref<1x80xi32, #tpu.memory_space<vmem>>
        %dma_start3A_156 = tpu.memref_squeeze %dma_start3A_155 : memref<1x80xi32, #tpu.memory_space<vmem>> -> memref<80xi32, #tpu.memory_space<vmem>>
        %dma_start3A_157 = arith.constant 0 : i32
        %dma_start3A_158 = arith.constant 0 : i32
        %dma_start3A_159 = tpu.memref_slice %arg10[%dma_start3A_157, %dma_start3A_158] : memref<10240x128xf32, #tpu.memory_space<vmem_shared>> -> memref<10240x128xf32, #tpu.memory_space<vmem_shared>>
        tpu.enqueue_indirect_dma source(%arg9 : memref<80x128xf32, #tpu.memory_space<vmem>>) target(%dma_start3A_159 : memref<10240x128xf32, #tpu.memory_space<vmem_shared>>) offsets(%dma_start3A_156 : memref<80xi32, #tpu.memory_space<vmem>>) semaphore(%run_scoped3A_153 : memref<!tpu.dma_semaphore, #tpu.memory_space<semaphore_mem>>) {add = true}
        %dma_wait3A_160 = arith.constant 0 : i32
        %dma_wait3A_161 = tpu.memref_slice %arg7[%add3A_152, %dma_wait3A_160] : memref<64x80xi32, #tpu.memory_space<vmem>> -> memref<1x80xi32, #tpu.memory_space<vmem>>
        %dma_wait3A_162 = tpu.memref_squeeze %dma_wait3A_161 : memref<1x80xi32, #tpu.memory_space<vmem>> -> memref<80xi32, #tpu.memory_space<vmem>>
        %dma_wait3A_163 = arith.constant 0 : i32
        %dma_wait3A_164 = arith.constant 0 : i32
        %dma_wait3A_165 = tpu.memref_slice %arg10[%dma_wait3A_163, %dma_wait3A_164] : memref<10240x128xf32, #tpu.memory_space<vmem_shared>> -> memref<10240x128xf32, #tpu.memory_space<vmem_shared>>
        tpu.wait_indirect_dma semaphore(%run_scoped3A_153 : memref<!tpu.dma_semaphore, #tpu.memory_space<semaphore_mem>>) src(%arg9 : memref<80x128xf32, #tpu.memory_space<vmem>>) dst(%dma_wait3A_165 : memref<10240x128xf32, #tpu.memory_space<vmem_shared>>)
        tpu.yield
      }) : () -> ()
    }
    %scan3A_26 = arith.constant 32 : i32
    %run_scoped3A_27 = arith.constant 0 : i32
    "tpu.region"() ({
      %run_scoped3A_82 = tpu.sem_alloc : memref<!tpu.dma_semaphore, #tpu.memory_space<semaphore_mem>>
      %dma_start3A_83 = arith.constant 0 : i32
      %dma_start3A_84 = arith.constant 0 : i32
      %dma_start3A_85 = tpu.memref_slice %arg6[%dma_start3A_83, %dma_start3A_84] : memref<64x80xi32, #tpu.memory_space<vmem>> -> memref<61x80xi32, #tpu.memory_space<vmem>>
      %dma_start3A_86 = arith.constant 64 : i32
      %dma_start3A_87 = arith.constant 0 : i32
      %dma_start3A_88 = tpu.memref_slice %arg3[%run_scoped3A_27, %add3A, %dma_start3A_86, %dma_start3A_87] : memref<2x32x125x80xi32, #tpu.memory_space<hbm>> -> memref<1x1x61x80xi32, #tpu.memory_space<hbm>>
      %dma_start3A_89 = tpu.memref_squeeze %dma_start3A_88 : memref<1x1x61x80xi32, #tpu.memory_space<hbm>> -> memref<61x80xi32, #tpu.memory_space<hbm>>
      %dma_start3A_90 = arith.constant 0 : i32
      %dma_start3A_91 = arith.constant 0 : i32
      %dma_start3A_92 = tpu.memref_slice %arg6[%dma_start3A_90, %dma_start3A_91] : memref<64x80xi32, #tpu.memory_space<vmem>> -> memref<61x80xi32, #tpu.memory_space<vmem>>
      %dma_start3A_93 = arith.constant 64 : i32
      %dma_start3A_94 = arith.constant 0 : i32
      %dma_start3A_95 = tpu.memref_slice %arg3[%run_scoped3A_27, %add3A, %dma_start3A_93, %dma_start3A_94] : memref<2x32x125x80xi32, #tpu.memory_space<hbm>> -> memref<1x1x61x80xi32, #tpu.memory_space<hbm>>
      %dma_start3A_96 = tpu.memref_squeeze %dma_start3A_95 : memref<1x1x61x80xi32, #tpu.memory_space<hbm>> -> memref<61x80xi32, #tpu.memory_space<hbm>>
      tpu.enqueue_dma source(%dma_start3A_96 : memref<61x80xi32, #tpu.memory_space<hbm>>) target(%dma_start3A_92 : memref<61x80xi32, #tpu.memory_space<vmem>>) target_semaphore(%run_scoped3A_82 : memref<!tpu.dma_semaphore, #tpu.memory_space<semaphore_mem>>)
      %dma_wait3A_97 = arith.constant 0 : i32
      %dma_wait3A_98 = arith.constant 0 : i32
      %dma_wait3A_99 = tpu.memref_slice %arg6[%dma_wait3A_97, %dma_wait3A_98] : memref<64x80xi32, #tpu.memory_space<vmem>> -> memref<61x80xi32, #tpu.memory_space<vmem>>
      %dma_wait3A_100 = arith.constant 64 : i32
      %dma_wait3A_101 = arith.constant 0 : i32
      %dma_wait3A_102 = tpu.memref_slice %arg3[%run_scoped3A_27, %add3A, %dma_wait3A_100, %dma_wait3A_101] : memref<2x32x125x80xi32, #tpu.memory_space<hbm>> -> memref<1x1x61x80xi32, #tpu.memory_space<hbm>>
      %dma_wait3A_103 = tpu.memref_squeeze %dma_wait3A_102 : memref<1x1x61x80xi32, #tpu.memory_space<hbm>> -> memref<61x80xi32, #tpu.memory_space<hbm>>
      %dma_wait3A_104 = arith.constant 0 : i32
      %dma_wait3A_105 = arith.constant 0 : i32
      %dma_wait3A_106 = tpu.memref_slice %arg6[%dma_wait3A_104, %dma_wait3A_105] : memref<64x80xi32, #tpu.memory_space<vmem>> -> memref<61x80xi32, #tpu.memory_space<vmem>>
      %dma_wait3A_107 = arith.constant 64 : i32
      %dma_wait3A_108 = arith.constant 0 : i32
      %dma_wait3A_109 = tpu.memref_slice %arg3[%run_scoped3A_27, %add3A, %dma_wait3A_107, %dma_wait3A_108] : memref<2x32x125x80xi32, #tpu.memory_space<hbm>> -> memref<1x1x61x80xi32, #tpu.memory_space<hbm>>
      %dma_wait3A_110 = tpu.memref_squeeze %dma_wait3A_109 : memref<1x1x61x80xi32, #tpu.memory_space<hbm>> -> memref<61x80xi32, #tpu.memory_space<hbm>>
      tpu.wait_dma2 semaphore(%run_scoped3A_82 : memref<!tpu.dma_semaphore, #tpu.memory_space<semaphore_mem>>) src(%dma_wait3A_110 : memref<61x80xi32, #tpu.memory_space<hbm>>) dst(%dma_wait3A_106 : memref<61x80xi32, #tpu.memory_space<vmem>>)
      tpu.yield
    }) : () -> ()
    %run_scoped3A_28 = arith.constant 1 : i32
    "tpu.region"() ({
      %run_scoped3A_82 = tpu.sem_alloc : memref<!tpu.dma_semaphore, #tpu.memory_space<semaphore_mem>>
      %dma_start3A_83 = arith.constant 0 : i32
      %dma_start3A_84 = arith.constant 0 : i32
      %dma_start3A_85 = tpu.memref_slice %arg7[%dma_start3A_83, %dma_start3A_84] : memref<64x80xi32, #tpu.memory_space<vmem>> -> memref<61x80xi32, #tpu.memory_space<vmem>>
      %dma_start3A_86 = arith.constant 64 : i32
      %dma_start3A_87 = arith.constant 0 : i32
      %dma_start3A_88 = tpu.memref_slice %arg3[%run_scoped3A_28, %add3A, %dma_start3A_86, %dma_start3A_87] : memref<2x32x125x80xi32, #tpu.memory_space<hbm>> -> memref<1x1x61x80xi32, #tpu.memory_space<hbm>>
      %dma_start3A_89 = tpu.memref_squeeze %dma_start3A_88 : memref<1x1x61x80xi32, #tpu.memory_space<hbm>> -> memref<61x80xi32, #tpu.memory_space<hbm>>
      %dma_start3A_90 = arith.constant 0 : i32
      %dma_start3A_91 = arith.constant 0 : i32
      %dma_start3A_92 = tpu.memref_slice %arg7[%dma_start3A_90, %dma_start3A_91] : memref<64x80xi32, #tpu.memory_space<vmem>> -> memref<61x80xi32, #tpu.memory_space<vmem>>
      %dma_start3A_93 = arith.constant 64 : i32
      %dma_start3A_94 = arith.constant 0 : i32
      %dma_start3A_95 = tpu.memref_slice %arg3[%run_scoped3A_28, %add3A, %dma_start3A_93, %dma_start3A_94] : memref<2x32x125x80xi32, #tpu.memory_space<hbm>> -> memref<1x1x61x80xi32, #tpu.memory_space<hbm>>
      %dma_start3A_96 = tpu.memref_squeeze %dma_start3A_95 : memref<1x1x61x80xi32, #tpu.memory_space<hbm>> -> memref<61x80xi32, #tpu.memory_space<hbm>>
      tpu.enqueue_dma source(%dma_start3A_96 : memref<61x80xi32, #tpu.memory_space<hbm>>) target(%dma_start3A_92 : memref<61x80xi32, #tpu.memory_space<vmem>>) target_semaphore(%run_scoped3A_82 : memref<!tpu.dma_semaphore, #tpu.memory_space<semaphore_mem>>)
      %dma_wait3A_97 = arith.constant 0 : i32
      %dma_wait3A_98 = arith.constant 0 : i32
      %dma_wait3A_99 = tpu.memref_slice %arg7[%dma_wait3A_97, %dma_wait3A_98] : memref<64x80xi32, #tpu.memory_space<vmem>> -> memref<61x80xi32, #tpu.memory_space<vmem>>
      %dma_wait3A_100 = arith.constant 64 : i32
      %dma_wait3A_101 = arith.constant 0 : i32
      %dma_wait3A_102 = tpu.memref_slice %arg3[%run_scoped3A_28, %add3A, %dma_wait3A_100, %dma_wait3A_101] : memref<2x32x125x80xi32, #tpu.memory_space<hbm>> -> memref<1x1x61x80xi32, #tpu.memory_space<hbm>>
      %dma_wait3A_103 = tpu.memref_squeeze %dma_wait3A_102 : memref<1x1x61x80xi32, #tpu.memory_space<hbm>> -> memref<61x80xi32, #tpu.memory_space<hbm>>
      %dma_wait3A_104 = arith.constant 0 : i32
      %dma_wait3A_105 = arith.constant 0 : i32
      %dma_wait3A_106 = tpu.memref_slice %arg7[%dma_wait3A_104, %dma_wait3A_105] : memref<64x80xi32, #tpu.memory_space<vmem>> -> memref<61x80xi32, #tpu.memory_space<vmem>>
      %dma_wait3A_107 = arith.constant 64 : i32
      %dma_wait3A_108 = arith.constant 0 : i32
      %dma_wait3A_109 = tpu.memref_slice %arg3[%run_scoped3A_28, %add3A, %dma_wait3A_107, %dma_wait3A_108] : memref<2x32x125x80xi32, #tpu.memory_space<hbm>> -> memref<1x1x61x80xi32, #tpu.memory_space<hbm>>
      %dma_wait3A_110 = tpu.memref_squeeze %dma_wait3A_109 : memref<1x1x61x80xi32, #tpu.memory_space<hbm>> -> memref<61x80xi32, #tpu.memory_space<hbm>>
      tpu.wait_dma2 semaphore(%run_scoped3A_82 : memref<!tpu.dma_semaphore, #tpu.memory_space<semaphore_mem>>) src(%dma_wait3A_110 : memref<61x80xi32, #tpu.memory_space<hbm>>) dst(%dma_wait3A_106 : memref<61x80xi32, #tpu.memory_space<vmem>>)
      tpu.yield
    }) : () -> ()
    %dma_start3A_29 = arith.constant 0 : i32
    %dma_start3A_30 = arith.constant 0 : i32
    %dma_start3A_31 = arith.constant 0 : i32
    %dma_start3A_32 = tpu.memref_slice %arg8[%dma_start3A_30, %dma_start3A_31] : memref<80x128xf32, #tpu.memory_space<vmem>> -> memref<40x128xf32, #tpu.memory_space<vmem>>
    %dma_start3A_33 = arith.constant 0 : i32
    %dma_start3A_34 = tpu.memref_slice %arg6[%dma_start3A_29, %dma_start3A_33] : memref<64x80xi32, #tpu.memory_space<vmem>> -> memref<1x40xi32, #tpu.memory_space<vmem>>
    %dma_start3A_35 = tpu.memref_squeeze %dma_start3A_34 : memref<1x40xi32, #tpu.memory_space<vmem>> -> memref<40xi32, #tpu.memory_space<vmem>>
    %dma_start3A_36 = arith.constant 0 : i32
    %dma_start3A_37 = arith.constant 0 : i32
    %dma_start3A_38 = tpu.memref_slice %arg2[%dma_start3A_36, %dma_start3A_37] : memref<10000x128xf32, #tpu.memory_space<hbm>> -> memref<10000x128xf32, #tpu.memory_space<hbm>>
    tpu.enqueue_indirect_dma source(%dma_start3A_38 : memref<10000x128xf32, #tpu.memory_space<hbm>>) target(%dma_start3A_32 : memref<40x128xf32, #tpu.memory_space<vmem>>) offsets(%dma_start3A_35 : memref<40xi32, #tpu.memory_space<vmem>>) semaphore(%arg11 : memref<!tpu.dma_semaphore, #tpu.memory_space<semaphore_mem>>)
    %dma_start3A_39 = arith.constant 0 : i32
    %dma_start3A_40 = arith.constant 40 : i32
    %dma_start3A_41 = arith.constant 0 : i32
    %dma_start3A_42 = tpu.memref_slice %arg8[%dma_start3A_40, %dma_start3A_41] : memref<80x128xf32, #tpu.memory_space<vmem>> -> memref<40x128xf32, #tpu.memory_space<vmem>>
    %dma_start3A_43 = arith.constant 40 : i32
    %dma_start3A_44 = tpu.memref_slice %arg6[%dma_start3A_39, %dma_start3A_43] : memref<64x80xi32, #tpu.memory_space<vmem>> -> memref<1x40xi32, #tpu.memory_space<vmem>>
    %dma_start3A_45 = tpu.memref_squeeze %dma_start3A_44 : memref<1x40xi32, #tpu.memory_space<vmem>> -> memref<40xi32, #tpu.memory_space<vmem>>
    %dma_start3A_46 = arith.constant 0 : i32
    %dma_start3A_47 = arith.constant 0 : i32
    %dma_start3A_48 = tpu.memref_slice %arg2[%dma_start3A_46, %dma_start3A_47] : memref<10000x128xf32, #tpu.memory_space<hbm>> -> memref<10000x128xf32, #tpu.memory_space<hbm>>
    tpu.enqueue_indirect_dma source(%dma_start3A_48 : memref<10000x128xf32, #tpu.memory_space<hbm>>) target(%dma_start3A_42 : memref<40x128xf32, #tpu.memory_space<vmem>>) offsets(%dma_start3A_45 : memref<40xi32, #tpu.memory_space<vmem>>) semaphore(%arg12 : memref<!tpu.dma_semaphore, #tpu.memory_space<semaphore_mem>>)
    %scan3A_49 = arith.constant 0 : i32
    %scan3A_50 = arith.constant 30 : i32
    %scan3A_51 = arith.addi %scan3A_49, %scan3A_50 : i32
    %scan3A_52 = arith.constant 1 : i32
    scf.for %scan3A_82 = %scan3A_49 to %scan3A_51 step %scan3A_52  : i32 {
      %mul3A_83 = arith.constant 2 : i32
      %mul3A_84 = arith.muli %scan3A_82, %mul3A_83 : i32
      %add3A_85 = arith.constant 0 : i32
      %add3A_86 = arith.addi %add3A_85, %mul3A_84 : i32
      %add3A_87 = arith.constant 1 : i32
      %add3A_88 = arith.addi %add3A_86, %add3A_87 : i32
      %dma_start3A_89 = arith.constant 0 : i32
      %dma_start3A_90 = arith.constant 0 : i32
      %dma_start3A_91 = tpu.memref_slice %arg9[%dma_start3A_89, %dma_start3A_90] : memref<80x128xf32, #tpu.memory_space<vmem>> -> memref<40x128xf32, #tpu.memory_space<vmem>>
      %dma_start3A_92 = arith.constant 0 : i32
      %dma_start3A_93 = tpu.memref_slice %arg6[%add3A_88, %dma_start3A_92] : memref<64x80xi32, #tpu.memory_space<vmem>> -> memref<1x40xi32, #tpu.memory_space<vmem>>
      %dma_start3A_94 = tpu.memref_squeeze %dma_start3A_93 : memref<1x40xi32, #tpu.memory_space<vmem>> -> memref<40xi32, #tpu.memory_space<vmem>>
      %dma_start3A_95 = arith.constant 0 : i32
      %dma_start3A_96 = arith.constant 0 : i32
      %dma_start3A_97 = tpu.memref_slice %arg2[%dma_start3A_95, %dma_start3A_96] : memref<10000x128xf32, #tpu.memory_space<hbm>> -> memref<10000x128xf32, #tpu.memory_space<hbm>>
      tpu.enqueue_indirect_dma source(%dma_start3A_97 : memref<10000x128xf32, #tpu.memory_space<hbm>>) target(%dma_start3A_91 : memref<40x128xf32, #tpu.memory_space<vmem>>) offsets(%dma_start3A_94 : memref<40xi32, #tpu.memory_space<vmem>>) semaphore(%arg13 : memref<!tpu.dma_semaphore, #tpu.memory_space<semaphore_mem>>)
      %dma_start3A_98 = arith.constant 40 : i32
      %dma_start3A_99 = arith.constant 0 : i32
      %dma_start3A_100 = tpu.memref_slice %arg9[%dma_start3A_98, %dma_start3A_99] : memref<80x128xf32, #tpu.memory_space<vmem>> -> memref<40x128xf32, #tpu.memory_space<vmem>>
      %dma_start3A_101 = arith.constant 40 : i32
      %dma_start3A_102 = tpu.memref_slice %arg6[%add3A_88, %dma_start3A_101] : memref<64x80xi32, #tpu.memory_space<vmem>> -> memref<1x40xi32, #tpu.memory_space<vmem>>
      %dma_start3A_103 = tpu.memref_squeeze %dma_start3A_102 : memref<1x40xi32, #tpu.memory_space<vmem>> -> memref<40xi32, #tpu.memory_space<vmem>>
      %dma_start3A_104 = arith.constant 0 : i32
      %dma_start3A_105 = arith.constant 0 : i32
      %dma_start3A_106 = tpu.memref_slice %arg2[%dma_start3A_104, %dma_start3A_105] : memref<10000x128xf32, #tpu.memory_space<hbm>> -> memref<10000x128xf32, #tpu.memory_space<hbm>>
      tpu.enqueue_indirect_dma source(%dma_start3A_106 : memref<10000x128xf32, #tpu.memory_space<hbm>>) target(%dma_start3A_100 : memref<40x128xf32, #tpu.memory_space<vmem>>) offsets(%dma_start3A_103 : memref<40xi32, #tpu.memory_space<vmem>>) semaphore(%arg14 : memref<!tpu.dma_semaphore, #tpu.memory_space<semaphore_mem>>)
      %dma_wait3A_107 = arith.constant 0 : i32
      %dma_wait3A_108 = arith.constant 0 : i32
      %dma_wait3A_109 = arith.constant 0 : i32
      %dma_wait3A_110 = tpu.memref_slice %arg8[%dma_wait3A_108, %dma_wait3A_109] : memref<80x128xf32, #tpu.memory_space<vmem>> -> memref<40x128xf32, #tpu.memory_space<vmem>>
      %dma_wait3A_111 = arith.constant 0 : i32
      %dma_wait3A_112 = tpu.memref_slice %arg6[%dma_wait3A_107, %dma_wait3A_111] : memref<64x80xi32, #tpu.memory_space<vmem>> -> memref<1x40xi32, #tpu.memory_space<vmem>>
      %dma_wait3A_113 = tpu.memref_squeeze %dma_wait3A_112 : memref<1x40xi32, #tpu.memory_space<vmem>> -> memref<40xi32, #tpu.memory_space<vmem>>
      %dma_wait3A_114 = arith.constant 0 : i32
      %dma_wait3A_115 = arith.constant 0 : i32
      %dma_wait3A_116 = tpu.memref_slice %arg2[%dma_wait3A_114, %dma_wait3A_115] : memref<10000x128xf32, #tpu.memory_space<hbm>> -> memref<10000x128xf32, #tpu.memory_space<hbm>>
      tpu.wait_indirect_dma semaphore(%arg11 : memref<!tpu.dma_semaphore, #tpu.memory_space<semaphore_mem>>) src(%dma_wait3A_116 : memref<10000x128xf32, #tpu.memory_space<hbm>>) dst(%dma_wait3A_110 : memref<40x128xf32, #tpu.memory_space<vmem>>)
      %dma_wait3A_117 = arith.constant 0 : i32
      %dma_wait3A_118 = arith.constant 40 : i32
      %dma_wait3A_119 = arith.constant 0 : i32
      %dma_wait3A_120 = tpu.memref_slice %arg8[%dma_wait3A_118, %dma_wait3A_119] : memref<80x128xf32, #tpu.memory_space<vmem>> -> memref<40x128xf32, #tpu.memory_space<vmem>>
      %dma_wait3A_121 = arith.constant 40 : i32
      %dma_wait3A_122 = tpu.memref_slice %arg6[%dma_wait3A_117, %dma_wait3A_121] : memref<64x80xi32, #tpu.memory_space<vmem>> -> memref<1x40xi32, #tpu.memory_space<vmem>>
      %dma_wait3A_123 = tpu.memref_squeeze %dma_wait3A_122 : memref<1x40xi32, #tpu.memory_space<vmem>> -> memref<40xi32, #tpu.memory_space<vmem>>
      %dma_wait3A_124 = arith.constant 0 : i32
      %dma_wait3A_125 = arith.constant 0 : i32
      %dma_wait3A_126 = tpu.memref_slice %arg2[%dma_wait3A_124, %dma_wait3A_125] : memref<10000x128xf32, #tpu.memory_space<hbm>> -> memref<10000x128xf32, #tpu.memory_space<hbm>>
      tpu.wait_indirect_dma semaphore(%arg12 : memref<!tpu.dma_semaphore, #tpu.memory_space<semaphore_mem>>) src(%dma_wait3A_126 : memref<10000x128xf32, #tpu.memory_space<hbm>>) dst(%dma_wait3A_120 : memref<40x128xf32, #tpu.memory_space<vmem>>)
      "tpu.region"() ({
        %run_scoped3A_153 = tpu.sem_alloc : memref<!tpu.dma_semaphore, #tpu.memory_space<semaphore_mem>>
        %dma_start3A_154 = arith.constant 0 : i32
        %dma_start3A_155 = tpu.memref_slice %arg7[%add3A_86, %dma_start3A_154] : memref<64x80xi32, #tpu.memory_space<vmem>> -> memref<1x80xi32, #tpu.memory_space<vmem>>
        %dma_start3A_156 = tpu.memref_squeeze %dma_start3A_155 : memref<1x80xi32, #tpu.memory_space<vmem>> -> memref<80xi32, #tpu.memory_space<vmem>>
        %dma_start3A_157 = arith.constant 0 : i32
        %dma_start3A_158 = arith.constant 0 : i32
        %dma_start3A_159 = tpu.memref_slice %arg10[%dma_start3A_157, %dma_start3A_158] : memref<10240x128xf32, #tpu.memory_space<vmem_shared>> -> memref<10240x128xf32, #tpu.memory_space<vmem_shared>>
        tpu.enqueue_indirect_dma source(%arg8 : memref<80x128xf32, #tpu.memory_space<vmem>>) target(%dma_start3A_159 : memref<10240x128xf32, #tpu.memory_space<vmem_shared>>) offsets(%dma_start3A_156 : memref<80xi32, #tpu.memory_space<vmem>>) semaphore(%run_scoped3A_153 : memref<!tpu.dma_semaphore, #tpu.memory_space<semaphore_mem>>) {add = true}
        %dma_wait3A_160 = arith.constant 0 : i32
        %dma_wait3A_161 = tpu.memref_slice %arg7[%add3A_86, %dma_wait3A_160] : memref<64x80xi32, #tpu.memory_space<vmem>> -> memref<1x80xi32, #tpu.memory_space<vmem>>
        %dma_wait3A_162 = tpu.memref_squeeze %dma_wait3A_161 : memref<1x80xi32, #tpu.memory_space<vmem>> -> memref<80xi32, #tpu.memory_space<vmem>>
        %dma_wait3A_163 = arith.constant 0 : i32
        %dma_wait3A_164 = arith.constant 0 : i32
        %dma_wait3A_165 = tpu.memref_slice %arg10[%dma_wait3A_163, %dma_wait3A_164] : memref<10240x128xf32, #tpu.memory_space<vmem_shared>> -> memref<10240x128xf32, #tpu.memory_space<vmem_shared>>
        tpu.wait_indirect_dma semaphore(%run_scoped3A_153 : memref<!tpu.dma_semaphore, #tpu.memory_space<semaphore_mem>>) src(%arg8 : memref<80x128xf32, #tpu.memory_space<vmem>>) dst(%dma_wait3A_165 : memref<10240x128xf32, #tpu.memory_space<vmem_shared>>)
        tpu.yield
      }) : () -> ()
      %add3A_127 = arith.constant 2 : i32
      %add3A_128 = arith.addi %add3A_86, %add3A_127 : i32
      %lt3A = arith.constant 61 : i32
      %lt3A_129 = arith.cmpi slt, %add3A_128, %lt3A : i32
      %convert_element_type3A = arith.extui %lt3A_129 : i1 to i32
      %cond3A = arith.constant 0 : i32
      %cond3A_130 = arith.cmpi ne, %convert_element_type3A, %cond3A : i32
      scf.if %cond3A_130 {
        %add3A_153 = arith.constant 2 : i32
        %add3A_154 = arith.addi %add3A_86, %add3A_153 : i32
        %dma_start3A_155 = arith.constant 0 : i32
        %dma_start3A_156 = arith.constant 0 : i32
        %dma_start3A_157 = tpu.memref_slice %arg8[%dma_start3A_155, %dma_start3A_156] : memref<80x128xf32, #tpu.memory_space<vmem>> -> memref<40x128xf32, #tpu.memory_space<vmem>>
        %dma_start3A_158 = arith.constant 0 : i32
        %dma_start3A_159 = tpu.memref_slice %arg6[%add3A_154, %dma_start3A_158] : memref<64x80xi32, #tpu.memory_space<vmem>> -> memref<1x40xi32, #tpu.memory_space<vmem>>
        %dma_start3A_160 = tpu.memref_squeeze %dma_start3A_159 : memref<1x40xi32, #tpu.memory_space<vmem>> -> memref<40xi32, #tpu.memory_space<vmem>>
        %dma_start3A_161 = arith.constant 0 : i32
        %dma_start3A_162 = arith.constant 0 : i32
        %dma_start3A_163 = tpu.memref_slice %arg2[%dma_start3A_161, %dma_start3A_162] : memref<10000x128xf32, #tpu.memory_space<hbm>> -> memref<10000x128xf32, #tpu.memory_space<hbm>>
        tpu.enqueue_indirect_dma source(%dma_start3A_163 : memref<10000x128xf32, #tpu.memory_space<hbm>>) target(%dma_start3A_157 : memref<40x128xf32, #tpu.memory_space<vmem>>) offsets(%dma_start3A_160 : memref<40xi32, #tpu.memory_space<vmem>>) semaphore(%arg11 : memref<!tpu.dma_semaphore, #tpu.memory_space<semaphore_mem>>)
        %dma_start3A_164 = arith.constant 40 : i32
        %dma_start3A_165 = arith.constant 0 : i32
        %dma_start3A_166 = tpu.memref_slice %arg8[%dma_start3A_164, %dma_start3A_165] : memref<80x128xf32, #tpu.memory_space<vmem>> -> memref<40x128xf32, #tpu.memory_space<vmem>>
        %dma_start3A_167 = arith.constant 40 : i32
        %dma_start3A_168 = tpu.memref_slice %arg6[%add3A_154, %dma_start3A_167] : memref<64x80xi32, #tpu.memory_space<vmem>> -> memref<1x40xi32, #tpu.memory_space<vmem>>
        %dma_start3A_169 = tpu.memref_squeeze %dma_start3A_168 : memref<1x40xi32, #tpu.memory_space<vmem>> -> memref<40xi32, #tpu.memory_space<vmem>>
        %dma_start3A_170 = arith.constant 0 : i32
        %dma_start3A_171 = arith.constant 0 : i32
        %dma_start3A_172 = tpu.memref_slice %arg2[%dma_start3A_170, %dma_start3A_171] : memref<10000x128xf32, #tpu.memory_space<hbm>> -> memref<10000x128xf32, #tpu.memory_space<hbm>>
        tpu.enqueue_indirect_dma source(%dma_start3A_172 : memref<10000x128xf32, #tpu.memory_space<hbm>>) target(%dma_start3A_166 : memref<40x128xf32, #tpu.memory_space<vmem>>) offsets(%dma_start3A_169 : memref<40xi32, #tpu.memory_space<vmem>>) semaphore(%arg12 : memref<!tpu.dma_semaphore, #tpu.memory_space<semaphore_mem>>)
      } else {
      }
      %dma_wait3A_131 = arith.constant 0 : i32
      %dma_wait3A_132 = arith.constant 0 : i32
      %dma_wait3A_133 = arith.constant 0 : i32
      %dma_wait3A_134 = tpu.memref_slice %arg9[%dma_wait3A_132, %dma_wait3A_133] : memref<80x128xf32, #tpu.memory_space<vmem>> -> memref<40x128xf32, #tpu.memory_space<vmem>>
      %dma_wait3A_135 = arith.constant 0 : i32
      %dma_wait3A_136 = tpu.memref_slice %arg6[%dma_wait3A_131, %dma_wait3A_135] : memref<64x80xi32, #tpu.memory_space<vmem>> -> memref<1x40xi32, #tpu.memory_space<vmem>>
      %dma_wait3A_137 = tpu.memref_squeeze %dma_wait3A_136 : memref<1x40xi32, #tpu.memory_space<vmem>> -> memref<40xi32, #tpu.memory_space<vmem>>
      %dma_wait3A_138 = arith.constant 0 : i32
      %dma_wait3A_139 = arith.constant 0 : i32
      %dma_wait3A_140 = tpu.memref_slice %arg2[%dma_wait3A_138, %dma_wait3A_139] : memref<10000x128xf32, #tpu.memory_space<hbm>> -> memref<10000x128xf32, #tpu.memory_space<hbm>>
      tpu.wait_indirect_dma semaphore(%arg13 : memref<!tpu.dma_semaphore, #tpu.memory_space<semaphore_mem>>) src(%dma_wait3A_140 : memref<10000x128xf32, #tpu.memory_space<hbm>>) dst(%dma_wait3A_134 : memref<40x128xf32, #tpu.memory_space<vmem>>)
      %dma_wait3A_141 = arith.constant 0 : i32
      %dma_wait3A_142 = arith.constant 40 : i32
      %dma_wait3A_143 = arith.constant 0 : i32
      %dma_wait3A_144 = tpu.memref_slice %arg9[%dma_wait3A_142, %dma_wait3A_143] : memref<80x128xf32, #tpu.memory_space<vmem>> -> memref<40x128xf32, #tpu.memory_space<vmem>>
      %dma_wait3A_145 = arith.constant 40 : i32
      %dma_wait3A_146 = tpu.memref_slice %arg6[%dma_wait3A_141, %dma_wait3A_145] : memref<64x80xi32, #tpu.memory_space<vmem>> -> memref<1x40xi32, #tpu.memory_space<vmem>>
      %dma_wait3A_147 = tpu.memref_squeeze %dma_wait3A_146 : memref<1x40xi32, #tpu.memory_space<vmem>> -> memref<40xi32, #tpu.memory_space<vmem>>
      %dma_wait3A_148 = arith.constant 0 : i32
      %dma_wait3A_149 = arith.constant 0 : i32
      %dma_wait3A_150 = tpu.memref_slice %arg2[%dma_wait3A_148, %dma_wait3A_149] : memref<10000x128xf32, #tpu.memory_space<hbm>> -> memref<10000x128xf32, #tpu.memory_space<hbm>>
      tpu.wait_indirect_dma semaphore(%arg14 : memref<!tpu.dma_semaphore, #tpu.memory_space<semaphore_mem>>) src(%dma_wait3A_150 : memref<10000x128xf32, #tpu.memory_space<hbm>>) dst(%dma_wait3A_144 : memref<40x128xf32, #tpu.memory_space<vmem>>)
      %add3A_151 = arith.constant 1 : i32
      %add3A_152 = arith.addi %add3A_86, %add3A_151 : i32
      "tpu.region"() ({
        %run_scoped3A_153 = tpu.sem_alloc : memref<!tpu.dma_semaphore, #tpu.memory_space<semaphore_mem>>
        %dma_start3A_154 = arith.constant 0 : i32
        %dma_start3A_155 = tpu.memref_slice %arg7[%add3A_152, %dma_start3A_154] : memref<64x80xi32, #tpu.memory_space<vmem>> -> memref<1x80xi32, #tpu.memory_space<vmem>>
        %dma_start3A_156 = tpu.memref_squeeze %dma_start3A_155 : memref<1x80xi32, #tpu.memory_space<vmem>> -> memref<80xi32, #tpu.memory_space<vmem>>
        %dma_start3A_157 = arith.constant 0 : i32
        %dma_start3A_158 = arith.constant 0 : i32
        %dma_start3A_159 = tpu.memref_slice %arg10[%dma_start3A_157, %dma_start3A_158] : memref<10240x128xf32, #tpu.memory_space<vmem_shared>> -> memref<10240x128xf32, #tpu.memory_space<vmem_shared>>
        tpu.enqueue_indirect_dma source(%arg9 : memref<80x128xf32, #tpu.memory_space<vmem>>) target(%dma_start3A_159 : memref<10240x128xf32, #tpu.memory_space<vmem_shared>>) offsets(%dma_start3A_156 : memref<80xi32, #tpu.memory_space<vmem>>) semaphore(%run_scoped3A_153 : memref<!tpu.dma_semaphore, #tpu.memory_space<semaphore_mem>>) {add = true}
        %dma_wait3A_160 = arith.constant 0 : i32
        %dma_wait3A_161 = tpu.memref_slice %arg7[%add3A_152, %dma_wait3A_160] : memref<64x80xi32, #tpu.memory_space<vmem>> -> memref<1x80xi32, #tpu.memory_space<vmem>>
        %dma_wait3A_162 = tpu.memref_squeeze %dma_wait3A_161 : memref<1x80xi32, #tpu.memory_space<vmem>> -> memref<80xi32, #tpu.memory_space<vmem>>
        %dma_wait3A_163 = arith.constant 0 : i32
        %dma_wait3A_164 = arith.constant 0 : i32
        %dma_wait3A_165 = tpu.memref_slice %arg10[%dma_wait3A_163, %dma_wait3A_164] : memref<10240x128xf32, #tpu.memory_space<vmem_shared>> -> memref<10240x128xf32, #tpu.memory_space<vmem_shared>>
        tpu.wait_indirect_dma semaphore(%run_scoped3A_153 : memref<!tpu.dma_semaphore, #tpu.memory_space<semaphore_mem>>) src(%arg9 : memref<80x128xf32, #tpu.memory_space<vmem>>) dst(%dma_wait3A_165 : memref<10240x128xf32, #tpu.memory_space<vmem_shared>>)
        tpu.yield
      }) : () -> ()
    }
    %scan3A_53 = arith.constant 30 : i32
    %dma_wait3A = arith.constant 0 : i32
    %dma_wait3A_54 = arith.constant 0 : i32
    %dma_wait3A_55 = arith.constant 0 : i32
    %dma_wait3A_56 = tpu.memref_slice %arg8[%dma_wait3A_54, %dma_wait3A_55] : memref<80x128xf32, #tpu.memory_space<vmem>> -> memref<40x128xf32, #tpu.memory_space<vmem>>
    %dma_wait3A_57 = arith.constant 0 : i32
    %dma_wait3A_58 = tpu.memref_slice %arg6[%dma_wait3A, %dma_wait3A_57] : memref<64x80xi32, #tpu.memory_space<vmem>> -> memref<1x40xi32, #tpu.memory_space<vmem>>
    %dma_wait3A_59 = tpu.memref_squeeze %dma_wait3A_58 : memref<1x40xi32, #tpu.memory_space<vmem>> -> memref<40xi32, #tpu.memory_space<vmem>>
    %dma_wait3A_60 = arith.constant 0 : i32
    %dma_wait3A_61 = arith.constant 0 : i32
    %dma_wait3A_62 = tpu.memref_slice %arg2[%dma_wait3A_60, %dma_wait3A_61] : memref<10000x128xf32, #tpu.memory_space<hbm>> -> memref<10000x128xf32, #tpu.memory_space<hbm>>
    tpu.wait_indirect_dma semaphore(%arg11 : memref<!tpu.dma_semaphore, #tpu.memory_space<semaphore_mem>>) src(%dma_wait3A_62 : memref<10000x128xf32, #tpu.memory_space<hbm>>) dst(%dma_wait3A_56 : memref<40x128xf32, #tpu.memory_space<vmem>>)
    %dma_wait3A_63 = arith.constant 0 : i32
    %dma_wait3A_64 = arith.constant 40 : i32
    %dma_wait3A_65 = arith.constant 0 : i32
    %dma_wait3A_66 = tpu.memref_slice %arg8[%dma_wait3A_64, %dma_wait3A_65] : memref<80x128xf32, #tpu.memory_space<vmem>> -> memref<40x128xf32, #tpu.memory_space<vmem>>
    %dma_wait3A_67 = arith.constant 40 : i32
    %dma_wait3A_68 = tpu.memref_slice %arg6[%dma_wait3A_63, %dma_wait3A_67] : memref<64x80xi32, #tpu.memory_space<vmem>> -> memref<1x40xi32, #tpu.memory_space<vmem>>
    %dma_wait3A_69 = tpu.memref_squeeze %dma_wait3A_68 : memref<1x40xi32, #tpu.memory_space<vmem>> -> memref<40xi32, #tpu.memory_space<vmem>>
    %dma_wait3A_70 = arith.constant 0 : i32
    %dma_wait3A_71 = arith.constant 0 : i32
    %dma_wait3A_72 = tpu.memref_slice %arg2[%dma_wait3A_70, %dma_wait3A_71] : memref<10000x128xf32, #tpu.memory_space<hbm>> -> memref<10000x128xf32, #tpu.memory_space<hbm>>
    tpu.wait_indirect_dma semaphore(%arg12 : memref<!tpu.dma_semaphore, #tpu.memory_space<semaphore_mem>>) src(%dma_wait3A_72 : memref<10000x128xf32, #tpu.memory_space<hbm>>) dst(%dma_wait3A_66 : memref<40x128xf32, #tpu.memory_space<vmem>>)
    %run_scoped3A_73 = arith.constant 60 : i32
    "tpu.region"() ({
      %run_scoped3A_82 = tpu.sem_alloc : memref<!tpu.dma_semaphore, #tpu.memory_space<semaphore_mem>>
      %dma_start3A_83 = arith.constant 0 : i32
      %dma_start3A_84 = tpu.memref_slice %arg7[%run_scoped3A_73, %dma_start3A_83] : memref<64x80xi32, #tpu.memory_space<vmem>> -> memref<1x80xi32, #tpu.memory_space<vmem>>
      %dma_start3A_85 = tpu.memref_squeeze %dma_start3A_84 : memref<1x80xi32, #tpu.memory_space<vmem>> -> memref<80xi32, #tpu.memory_space<vmem>>
      %dma_start3A_86 = arith.constant 0 : i32
      %dma_start3A_87 = arith.constant 0 : i32
      %dma_start3A_88 = tpu.memref_slice %arg10[%dma_start3A_86, %dma_start3A_87] : memref<10240x128xf32, #tpu.memory_space<vmem_shared>> -> memref<10240x128xf32, #tpu.memory_space<vmem_shared>>
      tpu.enqueue_indirect_dma source(%arg8 : memref<80x128xf32, #tpu.memory_space<vmem>>) target(%dma_start3A_88 : memref<10240x128xf32, #tpu.memory_space<vmem_shared>>) offsets(%dma_start3A_85 : memref<80xi32, #tpu.memory_space<vmem>>) semaphore(%run_scoped3A_82 : memref<!tpu.dma_semaphore, #tpu.memory_space<semaphore_mem>>) {add = true}
      %dma_wait3A_89 = arith.constant 0 : i32
      %dma_wait3A_90 = tpu.memref_slice %arg7[%run_scoped3A_73, %dma_wait3A_89] : memref<64x80xi32, #tpu.memory_space<vmem>> -> memref<1x80xi32, #tpu.memory_space<vmem>>
      %dma_wait3A_91 = tpu.memref_squeeze %dma_wait3A_90 : memref<1x80xi32, #tpu.memory_space<vmem>> -> memref<80xi32, #tpu.memory_space<vmem>>
      %dma_wait3A_92 = arith.constant 0 : i32
      %dma_wait3A_93 = arith.constant 0 : i32
      %dma_wait3A_94 = tpu.memref_slice %arg10[%dma_wait3A_92, %dma_wait3A_93] : memref<10240x128xf32, #tpu.memory_space<vmem_shared>> -> memref<10240x128xf32, #tpu.memory_space<vmem_shared>>
      tpu.wait_indirect_dma semaphore(%run_scoped3A_82 : memref<!tpu.dma_semaphore, #tpu.memory_space<semaphore_mem>>) src(%arg8 : memref<80x128xf32, #tpu.memory_space<vmem>>) dst(%dma_wait3A_94 : memref<10240x128xf32, #tpu.memory_space<vmem_shared>>)
      tpu.yield
    }) : () -> ()
    %barrier3A_74 = arith.constant 0 : index
    tpu.barrier barrier_id(%barrier3A_74)
    %mul3A_75 = arith.constant 640 : i32
    %mul3A_76 = arith.muli %arg1, %mul3A_75 : i32
    %mul3A_77 = arith.constant 10240 : i32
    %mul3A_78 = arith.muli %arg0, %mul3A_77 : i32
    %mul3A_79 = arith.constant 640 : i32
    %mul3A_80 = arith.muli %arg1, %mul3A_79 : i32
    %add3A_81 = arith.addi %mul3A_78, %mul3A_80 : i32
    "tpu.region"() ({
      %run_scoped3A_82 = tpu.sem_alloc : memref<!tpu.dma_semaphore, #tpu.memory_space<semaphore_mem>>
      %dma_start3A_83 = arith.constant 0 : i32
      %dma_start3A_84 = tpu.memref_slice %arg5[%add3A_81, %dma_start3A_83] : memref<20480x128xf32, #tpu.memory_space<hbm>> -> memref<640x128xf32, #tpu.memory_space<hbm>>
      %dma_start3A_85 = arith.constant 0 : i32
      %dma_start3A_86 = tpu.memref_slice %arg10[%mul3A_76, %dma_start3A_85] : memref<10240x128xf32, #tpu.memory_space<vmem_shared>> -> memref<640x128xf32, #tpu.memory_space<vmem_shared>>
      tpu.enqueue_dma source(%dma_start3A_86 : memref<640x128xf32, #tpu.memory_space<vmem_shared>>) target(%dma_start3A_84 : memref<640x128xf32, #tpu.memory_space<hbm>>) target_semaphore(%run_scoped3A_82 : memref<!tpu.dma_semaphore, #tpu.memory_space<semaphore_mem>>)
      %dma_wait3A_87 = arith.constant 0 : i32
      %dma_wait3A_88 = tpu.memref_slice %arg5[%add3A_81, %dma_wait3A_87] : memref<20480x128xf32, #tpu.memory_space<hbm>> -> memref<640x128xf32, #tpu.memory_space<hbm>>
      %dma_wait3A_89 = arith.constant 0 : i32
      %dma_wait3A_90 = tpu.memref_slice %arg10[%mul3A_76, %dma_wait3A_89] : memref<10240x128xf32, #tpu.memory_space<vmem_shared>> -> memref<640x128xf32, #tpu.memory_space<vmem_shared>>
      tpu.wait_dma2 semaphore(%run_scoped3A_82 : memref<!tpu.dma_semaphore, #tpu.memory_space<semaphore_mem>>) src(%dma_wait3A_90 : memref<640x128xf32, #tpu.memory_space<vmem_shared>>) dst(%dma_wait3A_88 : memref<640x128xf32, #tpu.memory_space<hbm>>)
      tpu.yield
    }) : () -> ()
    return
  }
}

module attributes {stable_mosaic.version = 14 : i64} {
  func.func @body(%arg0: i32, %arg1: memref<2000x128xf32, #tpu.memory_space<vmem>>, %arg2: memref<128x128xf32, #tpu.memory_space<vmem>>, %arg3: memref<1x128xf32, #tpu.memory_space<vmem>>, %arg4: memref<128x128xf32, #tpu.memory_space<vmem>>, %arg5: memref<2000x128xf32, #tpu.memory_space<vmem>>) attributes {dimension_semantics = [#tpu.dimension_semantics<arbitrary>], iteration_bounds = array<i64: 5>, scalar_prefetch = 0 : i64, scratch_operands = 0 : i64, tpu.core_type = #tpu.core_type<tc>, window_params = [{transform_indices = @transform_0, window_bounds = array<i64: 2000, 128>}, {pipeline_mode = #tpu.pipeline_mode<synchronous>, transform_indices = @transform_1, window_bounds = array<i64: 128, 128>}, {pipeline_mode = #tpu.pipeline_mode<synchronous>, transform_indices = @transform_2, window_bounds = array<i64: 1, 128>}, {pipeline_mode = #tpu.pipeline_mode<synchronous>, transform_indices = @transform_3, window_bounds = array<i64: 128, 128>}, {transform_indices = @transform_4, window_bounds = array<i64: 2000, 128>}]} {
    %get3A = arith.constant 0 : index
    %get3A_0 = arith.constant 0 : index
    %get3A_1 = vector.load %arg1[%get3A, %get3A_0] : memref<2000x128xf32, #tpu.memory_space<vmem>>, vector<2000x128xf32>
    %get3A_2 = arith.constant 0 : index
    %get3A_3 = arith.constant 0 : index
    %get3A_4 = vector.load %arg2[%get3A_2, %get3A_3] : memref<128x128xf32, #tpu.memory_space<vmem>>, vector<128x128xf32>
    %dot_general3A = arith.constant dense<0.000000e+00> : vector<2000x128xf32>
    %dot_general3A_5 = tpu.matmul %get3A_1, %get3A_4, %dot_general3A {dimension_numbers = #tpu.dot_dimension_numbers<[1], [0], [0], [1], [0, 0, 1, 1], [], []>, transpose_lhs_hint = false} : vector<2000x128xf32>, vector<128x128xf32>, vector<2000x128xf32> -> vector<2000x128xf32>
    %get3A_6 = arith.constant 0 : index
    %get3A_7 = arith.constant 0 : index
    %get3A_8 = vector.load %arg3[%get3A_6, %get3A_7] : memref<1x128xf32, #tpu.memory_space<vmem>>, vector<1x128xf32>
    %add3A = vector.broadcast %get3A_8 : vector<1x128xf32> to vector<2000x128xf32>
    %add3A_9 = arith.addf %dot_general3A_5, %add3A : vector<2000x128xf32>
    %get3A_10 = arith.constant 0 : index
    %get3A_11 = arith.constant 0 : index
    %get3A_12 = vector.load %arg4[%get3A_10, %get3A_11] : memref<128x128xf32, #tpu.memory_space<vmem>>, vector<128x128xf32>
    %dot_general3A_13 = arith.constant dense<0.000000e+00> : vector<2000x128xf32>
    %dot_general3A_14 = tpu.matmul %add3A_9, %get3A_12, %dot_general3A_13 {dimension_numbers = #tpu.dot_dimension_numbers<[1], [0], [0], [1], [0, 0, 1, 1], [], []>, transpose_lhs_hint = false} : vector<2000x128xf32>, vector<128x128xf32>, vector<2000x128xf32> -> vector<2000x128xf32>
    %swap3A = arith.constant 0 : index
    %swap3A_15 = arith.constant 0 : index
    %swap3A_16 = vector.load %arg5[%swap3A, %swap3A_15] : memref<2000x128xf32, #tpu.memory_space<vmem>>, vector<2000x128xf32>
    tpu.vector_store %arg5[%swap3A, %swap3A_15], %dot_general3A_14 {strides = array<i32>} : memref<2000x128xf32, #tpu.memory_space<vmem>>, vector<2000x128xf32>,
    return
  }
  func.func @transform_0(%arg0: i32) -> (i32, i32) {
    %c0_i32 = arith.constant 0 : i32
    %c0_i32_0 = arith.constant 0 : i32
    return %arg0, %c0_i32 : i32, i32
  }
  func.func @transform_1(%arg0: i32) -> (i32, i32) {
    %c0_i32 = arith.constant 0 : i32
    %c0_i32_0 = arith.constant 0 : i32
    %c0_i32_1 = arith.constant 0 : i32
    return %c0_i32, %c0_i32_0 : i32, i32
  }
  func.func @transform_2(%arg0: i32) -> (i32, i32) {
    %c0_i32 = arith.constant 0 : i32
    %c0_i32_0 = arith.constant 0 : i32
    %c0_i32_1 = arith.constant 0 : i32
    return %c0_i32, %c0_i32_0 : i32, i32
  }
  func.func @transform_3(%arg0: i32) -> (i32, i32) {
    %c0_i32 = arith.constant 0 : i32
    %c0_i32_0 = arith.constant 0 : i32
    %c0_i32_1 = arith.constant 0 : i32
    return %c0_i32, %c0_i32_0 : i32, i32
  }
  func.func @transform_4(%arg0: i32) -> (i32, i32) {
    %c0_i32 = arith.constant 0 : i32
    %c0_i32_0 = arith.constant 0 : i32
    return %arg0, %c0_i32 : i32, i32
  }
}

module attributes {stable_mosaic.version = 14 : i64} {
  func.func @body(%arg0: i32, %arg1: memref<2x2000x128xf32, #tpu.memory_space<vmem>>, %arg2: memref<1x128xf32, #tpu.memory_space<vmem>>, %arg3: memref<128x128xf32, #tpu.memory_space<vmem>>, %arg4: memref<2000x128xf32, #tpu.memory_space<vmem>>) attributes {dimension_semantics = [#tpu.dimension_semantics<arbitrary>], iteration_bounds = array<i64: 5>, scalar_prefetch = 0 : i64, scratch_operands = 0 : i64, tpu.core_type = #tpu.core_type<tc>, window_params = [{transform_indices = @transform_0, window_bounds = array<i64: 2, 2000, 128>}, {pipeline_mode = #tpu.pipeline_mode<synchronous>, transform_indices = @transform_1, window_bounds = array<i64: 1, 128>}, {pipeline_mode = #tpu.pipeline_mode<synchronous>, transform_indices = @transform_2, window_bounds = array<i64: 128, 128>}, {transform_indices = @transform_3, window_bounds = array<i64: 2000, 128>}]} {
    %get3A = arith.constant 0 : index
    %get3A_0 = arith.constant 0 : index
    %get3A_1 = arith.constant 0 : index
    %get3A_2 = vector.load %arg1[%get3A, %get3A_0, %get3A_1] : memref<2x2000x128xf32, #tpu.memory_space<vmem>>, vector<1x2000x128xf32>
    %get3A_3 = vector.shape_cast %get3A_2 : vector<1x2000x128xf32> to vector<2000x128xf32>
    %get3A_4 = arith.constant 1 : index
    %get3A_5 = arith.constant 0 : index
    %get3A_6 = arith.constant 0 : index
    %get3A_7 = vector.load %arg1[%get3A_4, %get3A_5, %get3A_6] : memref<2x2000x128xf32, #tpu.memory_space<vmem>>, vector<1x2000x128xf32>
    %get3A_8 = vector.shape_cast %get3A_7 : vector<1x2000x128xf32> to vector<2000x128xf32>
    %add3A = arith.addf %get3A_3, %get3A_8 : vector<2000x128xf32>
    %get3A_9 = arith.constant 0 : index
    %get3A_10 = arith.constant 0 : index
    %get3A_11 = vector.load %arg2[%get3A_9, %get3A_10] : memref<1x128xf32, #tpu.memory_space<vmem>>, vector<1x128xf32>
    %add3A_12 = vector.broadcast %get3A_11 : vector<1x128xf32> to vector<2000x128xf32>
    %add3A_13 = arith.addf %add3A, %add3A_12 : vector<2000x128xf32>
    %max3A = arith.constant 0.000000e+00 : f32
    %max3A_14 = vector.broadcast %max3A : f32 to vector<2000x128xf32>
    %max3A_15 = arith.maximumf %add3A_13, %max3A_14 : vector<2000x128xf32>
    %get3A_16 = arith.constant 0 : index
    %get3A_17 = arith.constant 0 : index
    %get3A_18 = vector.load %arg3[%get3A_16, %get3A_17] : memref<128x128xf32, #tpu.memory_space<vmem>>, vector<128x128xf32>
    %dot_general3A = arith.constant dense<0.000000e+00> : vector<2000x128xf32>
    %dot_general3A_19 = tpu.matmul %max3A_15, %get3A_18, %dot_general3A {dimension_numbers = #tpu.dot_dimension_numbers<[1], [0], [0], [1], [0, 0, 1, 1], [], []>, transpose_lhs_hint = false} : vector<2000x128xf32>, vector<128x128xf32>, vector<2000x128xf32> -> vector<2000x128xf32>
    %swap3A = arith.constant 0 : index
    %swap3A_20 = arith.constant 0 : index
    %swap3A_21 = vector.load %arg4[%swap3A, %swap3A_20] : memref<2000x128xf32, #tpu.memory_space<vmem>>, vector<2000x128xf32>
    tpu.vector_store %arg4[%swap3A, %swap3A_20], %dot_general3A_19 {strides = array<i32>} : memref<2000x128xf32, #tpu.memory_space<vmem>>, vector<2000x128xf32>,
    return
  }
  func.func @transform_0(%arg0: i32) -> (i32, i32, i32) {
    %c0_i32 = arith.constant 0 : i32
    %c0_i32_0 = arith.constant 0 : i32
    %c0_i32_1 = arith.constant 0 : i32
    return %c0_i32, %arg0, %c0_i32_0 : i32, i32, i32
  }
  func.func @transform_1(%arg0: i32) -> (i32, i32) {
    %c0_i32 = arith.constant 0 : i32
    %c0_i32_0 = arith.constant 0 : i32
    %c0_i32_1 = arith.constant 0 : i32
    return %c0_i32, %c0_i32_0 : i32, i32
  }
  func.func @transform_2(%arg0: i32) -> (i32, i32) {
    %c0_i32 = arith.constant 0 : i32
    %c0_i32_0 = arith.constant 0 : i32
    %c0_i32_1 = arith.constant 0 : i32
    return %c0_i32, %c0_i32_0 : i32, i32
  }
  func.func @transform_3(%arg0: i32) -> (i32, i32) {
    %c0_i32 = arith.constant 0 : i32
    %c0_i32_0 = arith.constant 0 : i32
    return %arg0, %c0_i32 : i32, i32
  }
}

module attributes {stable_mosaic.version = 14 : i64} {
  func.func @body(%arg0: i32, %arg1: memref<2x2000x128xf32, #tpu.memory_space<vmem>>, %arg2: memref<1x128xf32, #tpu.memory_space<vmem>>, %arg3: memref<128x128xf32, #tpu.memory_space<vmem>>, %arg4: memref<1x128xf32, #tpu.memory_space<vmem>>, %arg5: memref<2000x40xf32, #tpu.memory_space<vmem>>) attributes {dimension_semantics = [#tpu.dimension_semantics<arbitrary>], iteration_bounds = array<i64: 5>, scalar_prefetch = 0 : i64, scratch_operands = 0 : i64, tpu.core_type = #tpu.core_type<tc>, window_params = [{transform_indices = @transform_0, window_bounds = array<i64: 2, 2000, 128>}, {pipeline_mode = #tpu.pipeline_mode<synchronous>, transform_indices = @transform_1, window_bounds = array<i64: 1, 128>}, {pipeline_mode = #tpu.pipeline_mode<synchronous>, transform_indices = @transform_2, window_bounds = array<i64: 128, 128>}, {pipeline_mode = #tpu.pipeline_mode<synchronous>, transform_indices = @transform_3, window_bounds = array<i64: 1, 128>}, {transform_indices = @transform_4, window_bounds = array<i64: 2000, 40>}]} {
    %get3A = arith.constant 0 : index
    %get3A_0 = arith.constant 0 : index
    %get3A_1 = arith.constant 0 : index
    %get3A_2 = vector.load %arg1[%get3A, %get3A_0, %get3A_1] : memref<2x2000x128xf32, #tpu.memory_space<vmem>>, vector<1x2000x128xf32>
    %get3A_3 = vector.shape_cast %get3A_2 : vector<1x2000x128xf32> to vector<2000x128xf32>
    %get3A_4 = arith.constant 1 : index
    %get3A_5 = arith.constant 0 : index
    %get3A_6 = arith.constant 0 : index
    %get3A_7 = vector.load %arg1[%get3A_4, %get3A_5, %get3A_6] : memref<2x2000x128xf32, #tpu.memory_space<vmem>>, vector<1x2000x128xf32>
    %get3A_8 = vector.shape_cast %get3A_7 : vector<1x2000x128xf32> to vector<2000x128xf32>
    %add3A = arith.addf %get3A_3, %get3A_8 : vector<2000x128xf32>
    %get3A_9 = arith.constant 0 : index
    %get3A_10 = arith.constant 0 : index
    %get3A_11 = vector.load %arg2[%get3A_9, %get3A_10] : memref<1x128xf32, #tpu.memory_space<vmem>>, vector<1x128xf32>
    %add3A_12 = vector.broadcast %get3A_11 : vector<1x128xf32> to vector<2000x128xf32>
    %add3A_13 = arith.addf %add3A, %add3A_12 : vector<2000x128xf32>
    %max3A = arith.constant 0.000000e+00 : f32
    %max3A_14 = vector.broadcast %max3A : f32 to vector<2000x128xf32>
    %max3A_15 = arith.maximumf %add3A_13, %max3A_14 : vector<2000x128xf32>
    %get3A_16 = arith.constant 0 : index
    %get3A_17 = arith.constant 0 : index
    %get3A_18 = vector.load %arg3[%get3A_16, %get3A_17] : memref<128x128xf32, #tpu.memory_space<vmem>>, vector<128x128xf32>
    %dot_general3A = arith.constant dense<0.000000e+00> : vector<2000x128xf32>
    %dot_general3A_19 = tpu.matmul %max3A_15, %get3A_18, %dot_general3A {dimension_numbers = #tpu.dot_dimension_numbers<[1], [0], [0], [1], [0, 0, 1, 1], [], []>, transpose_lhs_hint = false} : vector<2000x128xf32>, vector<128x128xf32>, vector<2000x128xf32> -> vector<2000x128xf32>
    %get3A_20 = arith.constant 0 : index
    %get3A_21 = arith.constant 0 : index
    %get3A_22 = vector.load %arg4[%get3A_20, %get3A_21] : memref<1x128xf32, #tpu.memory_space<vmem>>, vector<1x128xf32>
    %add3A_23 = vector.broadcast %get3A_22 : vector<1x128xf32> to vector<2000x128xf32>
    %add3A_24 = arith.addf %dot_general3A_19, %add3A_23 : vector<2000x128xf32>
    %reduce_max3A = arith.constant dense<0xFF800000> : vector<2000xf32>
    %reduce_max3A_25 = vector.multi_reduction <maximumf>, %add3A_24, %reduce_max3A [1] : vector<2000x128xf32> to vector<2000xf32>
    %broadcast_in_dim3A = vector.shape_cast %reduce_max3A_25 : vector<2000xf32> to vector<2000x1xf32>
    %sub3A = vector.broadcast %broadcast_in_dim3A : vector<2000x1xf32> to vector<2000x128xf32>
    %sub3A_26 = arith.subf %add3A_24, %sub3A : vector<2000x128xf32>
    %exp3A = math.exp %sub3A_26 : vector<2000x128xf32>
    %reduce_sum3A = arith.constant dense<0.000000e+00> : vector<2000xf32>
    %reduce_sum3A_27 = vector.multi_reduction <add>, %exp3A, %reduce_sum3A [1] : vector<2000x128xf32> to vector<2000xf32>
    %broadcast_in_dim3A_28 = vector.shape_cast %reduce_sum3A_27 : vector<2000xf32> to vector<2000x1xf32>
    %log3A = math.log %broadcast_in_dim3A_28 : vector<2000x1xf32>
    %sub3A_29 = vector.broadcast %broadcast_in_dim3A : vector<2000x1xf32> to vector<2000x128xf32>
    %sub3A_30 = arith.subf %add3A_24, %sub3A_29 : vector<2000x128xf32>
    %sub3A_31 = vector.broadcast %log3A : vector<2000x1xf32> to vector<2000x128xf32>
    %sub3A_32 = arith.subf %sub3A_30, %sub3A_31 : vector<2000x128xf32>
    %slice3A = vector.extract_strided_slice %sub3A_32 {offsets = [0, 0], sizes = [2000, 40], strides = [1, 1]} : vector<2000x128xf32> to vector<2000x40xf32>
    %swap3A = arith.constant 0 : index
    %swap3A_33 = arith.constant 0 : index
    %swap3A_34 = vector.load %arg5[%swap3A, %swap3A_33] : memref<2000x40xf32, #tpu.memory_space<vmem>>, vector<2000x40xf32>
    tpu.vector_store %arg5[%swap3A, %swap3A_33], %slice3A {strides = array<i32>} : memref<2000x40xf32, #tpu.memory_space<vmem>>, vector<2000x40xf32>,
    return
  }
  func.func @transform_0(%arg0: i32) -> (i32, i32, i32) {
    %c0_i32 = arith.constant 0 : i32
    %c0_i32_0 = arith.constant 0 : i32
    %c0_i32_1 = arith.constant 0 : i32
    return %c0_i32, %arg0, %c0_i32_0 : i32, i32, i32
  }
  func.func @transform_1(%arg0: i32) -> (i32, i32) {
    %c0_i32 = arith.constant 0 : i32
    %c0_i32_0 = arith.constant 0 : i32
    %c0_i32_1 = arith.constant 0 : i32
    return %c0_i32, %c0_i32_0 : i32, i32
  }
  func.func @transform_2(%arg0: i32) -> (i32, i32) {
    %c0_i32 = arith.constant 0 : i32
    %c0_i32_0 = arith.constant 0 : i32
    %c0_i32_1 = arith.constant 0 : i32
    return %c0_i32, %c0_i32_0 : i32, i32
  }
  func.func @transform_3(%arg0: i32) -> (i32, i32) {
    %c0_i32 = arith.constant 0 : i32
    %c0_i32_0 = arith.constant 0 : i32
    %c0_i32_1 = arith.constant 0 : i32
    return %c0_i32, %c0_i32_0 : i32, i32
  }
  func.func @transform_4(%arg0: i32) -> (i32, i32) {
    %c0_i32 = arith.constant 0 : i32
    %c0_i32_0 = arith.constant 0 : i32
    return %arg0, %c0_i32 : i32, i32
  }
}

</mosaic_0001>

<sc_bundles>
// kernel: kernel.10.cloned.1.call-start
scs
__scs_entry_jumppad:
0x0: {  	(pc) =	sbr.rel $0x88, $3  }
0x1: {  	(tag) =	ssettag $0x0;
	lr =	simm.s32 $0x1  }
0x2: {  	[smem:$0x3F97] =	sst lr;
	_ =	strace $0xD0000000  }
0x3: {  	_ = 	snop  }
0x4: {  	_ = 	snop  }
0x5: {  	_ = 	snop  }
0x6: {  	_ = 	snop  }
0x7: {  	_ = 	snop  }
__scs_overlays_trampoline_lowered:
0x8: {  	[smem:$0x3FA6] =	sst s0  }
0x9: {  	[smem:$0x3FA7] =	sst s1  }
0xa: {  	[smem:$0x3FA8] =	sst s2  }
0xb: {  	[smem:$0x3FA9] =	sst s3  }
0xc: {  	[smem:$0x3FAA] =	sst s4  }
0xd: {  	[smem:$0x3FAB] =	sst s5  }
0xe: {  	[smem:$0x3FAC] =	sst s6  }
0xf: {  	[smem:$0x3FAD] =	sst s7  }
0x10: {  	[smem:$0x3FAE] =	sst s8  }
0x11: {  	[smem:$0x3FAF] =	sst s9;
	s0 =	simm.s32 @!p0 $0x0  }
0x12: {  	s1 =	sld [smem:$0x3F95];
	s0 =	simm.s32 @p0 $0x1  }
0x13: {  	[smem:$0x3FB0] =	sst s0;
	s0 =	simm.s32 @!p1 $0x0  }
0x14: {  	s2 =	sld [smem:$0x3F94];
	s0 =	simm.s32 @p1 $0x1  }
0x15: {  	[smem:$0x3FB1] =	sst s0;
	s0 =	simm.s32 @!p2 $0x0  }
0x16: {  	s3 =	sld [smem:$0x3FDB];
	s0 =	simm.s32 @p2 $0x1  }
0x17: {  	s4 =	simm.s32 $0x1BF5;
	[smem:$0x3FB3] =	sst s0  }
0x18: {  	s0 =	sld [smem:$0x3F96];
	_ =	swait.ge [sflag:s4], $0x0  }
0x19: {  	s7 =	sld [smem:$0x3F97]  }
0x1a: {  	s8 =	sadd.s32 $0xFFFFE003, lr  }
0x1b: {  	s9 =	sadd.s32 $0xFFFFFEF7, lr;
	s5 =	simm.s32 $0xFFFFFFFF;
	p2 =	slt.u32 s8, $0xFFFFF086  }
0x1c: {  	p1 =	slt.u32 s9, $0xF7A;
	s5 =	simm.s32 @!p2 $0x0  }
0x1d: {  	s5 =	simm.s32 @p1 $0x1;
	p0 =	seq.s32 s7, s2  }
0x1e: {  	s7 =	smul.u32 @!p0 $0xF7A, s2;
	p2 =	seq.s32 @!p0 s5, $0x0  }
0x1f: {  	s9 =	smul.u32 $0xF7A, s1;
	s8 =	simm.s32 @!p0 $0x1BF5;
	p2 =	por !p2, p0  }
0x20: {  	[sflag:s8] =	ssyncset.s32 @!p0 $0xFFFFF086;
	s6 =	sadd.s32 @!p0 s3, s7;
	s7 =	simm.s32 @!p0 $0x108  }
0x21: {  	s3 =	sadd.s32 s3, s9;
	s6 =	sadd.s32 @!p0 $0x88, s6;
	s7 =	simm.s32 @p2 $0x1082  }
0x22: {  	[simem:s7], [sflag:s8] =	dma.local @!p0 [hbm:s6], $0xF7A  }
0x23: {  	s9 =	sor.u32 $0xD0000000, s2;
	s6 =	simm.s32 $0x108;
	_ =	swait.ge @!p0 [sflag:s8], $0x0  }
0x24: {  	s3 =	sadd.s32 $0x88, s3;
	s6 =	simm.s32 @!p1 $0x1082;
	[sflag:s4] =	ssyncset.s32 $0xFFFFF086  }
0x25: {  	[simem:s6], [sflag:s4] =	dma.local [hbm:s3], $0xF7A  }
0x26: {  	[smem:$0x3F97] =	sst s1;
	(tag) =	ssettag s2;
	_ =	strace s9  }
0x27: {  	s1 =	sld [smem:$0x3FA7]  }
0x28: {  	s2 =	sld [smem:$0x3FA8]  }
0x29: {  	s4 =	sld [smem:$0x3FAA]  }
0x2a: {  	p0 =	seq.s32 s5, $0x0;
	s5 =	sld [smem:$0x3FAB]  }
0x2b: {  	s6 =	sld [smem:$0x3FAC]  }
0x2c: {  	s7 =	sld [smem:$0x3FAD]  }
0x2d: {  	s3 =	simm.s32 $0x108;
	s8 =	sld [smem:$0x3FAE]  }
0x2e: {  	s3 =	simm.s32 @!p0 $0x1082;
	s9 =	sld [smem:$0x3FAF]  }
0x2f: {  	lr =	sadd.s32 s0, s3;
	s0 =	sld [smem:$0x3FA6]  }
0x30: {  	s3 =	sld [smem:$0x3FA9]  }
0x31: {  	[smem:$0x3FB2] =	sst s10  }
0x32: {  	s10 =	sld [smem:$0x3FB0];
	_ =	sdelay $0x3  }
0x33: {  	p0 =	seq.s32 s10, $0x1;
	s10 =	sld [smem:$0x3FB2];
	_ =	sdelay $0x3  }
0x34: {  	[smem:$0x3FB2] =	sst s10  }
0x35: {  	s10 =	sld [smem:$0x3FB1];
	_ =	sdelay $0x3  }
0x36: {  	p1 =	seq.s32 s10, $0x1;
	s10 =	sld [smem:$0x3FB2];
	_ =	sdelay $0x3  }
0x37: {  	[smem:$0x3FB2] =	sst s10  }
0x38: {  	s10 =	sld [smem:$0x3FB3]  }
0x39: {  	_ = 	snop;
	(pc) =	sbr.ind lr, $3  }
0x3a: {  	_ = 	snop  }
0x3b: {  	_ = 	snop  }
0x3c: {  	p2 =	seq.s32 s10, $0x1;
	s10 =	sld [smem:$0x3FB2]  }
0x3d: {  	_ =	shalt  }
0x3e: {  	_ =	shalt  }
0x3f: {  	_ =	shalt  }
0x40: {  	_ =	shalt  }
0x41: {  	_ =	shalt  }
0x42: {  	_ =	shalt  }
0x43: {  	_ =	shalt  }
0x44: {  	_ =	shalt  }
0x45: {  	_ =	shalt  }
0x46: {  	_ =	shalt  }
0x47: {  	_ =	shalt  }
0x48: {  	_ =	shalt  }
0x49: {  	_ =	shalt  }
0x4a: {  	_ =	shalt  }
0x4b: {  	_ =	shalt  }
0x4c: {  	_ =	shalt  }
0x4d: {  	_ =	shalt  }
0x4e: {  	_ =	shalt  }
0x4f: {  	_ =	shalt  }
0x50: {  	_ =	shalt  }
0x51: {  	_ =	shalt  }
0x52: {  	_ =	shalt  }
0x53: {  	_ =	shalt  }
0x54: {  	_ =	shalt  }
0x55: {  	_ =	shalt  }
0x56: {  	_ =	shalt  }
0x57: {  	_ =	shalt  }
0x58: {  	_ =	shalt  }
0x59: {  	_ =	shalt  }
0x5a: {  	_ =	shalt  }
0x5b: {  	_ =	shalt  }
0x5c: {  	_ =	shalt  }
0x5d: {  	_ =	shalt  }
0x5e: {  	_ =	shalt  }
0x5f: {  	_ =	shalt  }
0x60: {  	_ =	shalt  }
0x61: {  	_ =	shalt  }
0x62: {  	_ =	shalt  }
0x63: {  	_ =	shalt  }
0x64: {  	_ =	shalt  }
0x65: {  	_ =	shalt  }
0x66: {  	_ =	shalt  }
0x67: {  	_ =	shalt  }
0x68: {  	_ =	shalt  }
0x69: {  	_ =	shalt  }
0x6a: {  	_ =	shalt  }
0x6b: {  	_ =	shalt  }
0x6c: {  	_ =	shalt  }
0x6d: {  	_ =	shalt  }
0x6e: {  	_ =	shalt  }
0x6f: {  	_ =	shalt  }
0x70: {  	_ =	shalt  }
0x71: {  	_ =	shalt  }
0x72: {  	_ =	shalt  }
0x73: {  	_ =	shalt  }
0x74: {  	_ =	shalt  }
0x75: {  	_ =	shalt  }
0x76: {  	_ =	shalt  }
0x77: {  	_ =	shalt  }
0x78: {  	_ =	shalt  }
0x79: {  	_ =	shalt  }
0x7a: {  	_ =	shalt  }
0x7b: {  	_ =	shalt  }
0x7c: {  	_ =	shalt  }
0x7d: {  	_ =	shalt  }
0x7e: {  	_ =	shalt  }
0x7f: {  	_ =	shalt  }
0x80: {  	_ =	shalt  }
0x81: {  	_ =	shalt  }
0x82: {  	_ =	shalt  }
0x83: {  	_ =	shalt  }
0x84: {  	_ =	shalt  }
0x85: {  	_ =	shalt  }
0x86: {  	_ =	shalt  }
0x87: {  	_ =	shalt  }
.Lfunc_end0:
.L_simem_size_0:
called_computation.1_lowered:
.L_overlay_start_0:
0x88: {  	s2 =	sld [smem:$0x3FD9]  }
0x89: {  	s3 =	sld [smem:$0x3FFE];
	_ =	sdelay $0x1  }
0x8a: {  	s1 =	srdreg.scid  }
0x8b: {  	s0 =	sand.u32 $0x1, s1  }
0x8c: {  	s17 =	sshll.u32 s0, $0xA;
	s2 =	sadd.s32 s3, s2  }
0x8d: {  	s2 =	sadd.s32 s2, s17  }
0x8e: {  	[smem:$0x3FBE] =	sst s2  }
0x8f: {  	_ = 	snop  }
0x90: {  	s2 =	sld [smem:$0x3FD0];
	(tm) =	ssettm $0x1  }
0x91: {  	s18 =	sld [smem:$0x3FFB];
	_ =	sdelay $0x3  }
0x92: {  	_ =	strace s18  }
0x93: {  	s3 =	sld [smem:$0x3FFC];
	_ =	sdelay $0x3  }
0x94: {  	_ =	strace s3  }
0x95: {  	s3 =	sld [smem:$0x3FFD];
	_ =	sdelay $0x3  }
0x96: {  	_ =	strace s3  }
0x97: {  	_ =	strace $0x8FFFFFFF  }
0x98: {  	s19 =	sld [smem:$0x3FDB];
	_ =	sdelay $0x1  }
0x99: {  	s4 =	simm.s32 $_scs_section_size  }
0x9a: {  	s5 =	simm.s32 $_size__tile_overlayer_lowered;
	s6 =	simm.s32 $_tile_overlayer_lowered  }
0x9b: {  	s22 =	simm.s32 $0x1BFF;
	s21 =	sshll.u32 s6, $0x1;
	s3 =	sadd.s32 s4, s19  }
0x9c: {  	s7 =	simm.s32 $0x0;
	s20 =	sshll.u32 s5, $0x1;
	s5 =	sadd.s32 s21, s3  }
0x9d: {  	[timem:s7], [sflag:s22] =	dma.local [hbm:s5], s20  }
0x9e: {  	_ =	swait.ge [sflag:s22], s20  }
0x9f: {  	s4 =	ssub.s32 $0x0, s20;
	[sflag:s22] =	ssyncset.done $0x0  }
0xa0: {  	[sflag:s22] =	ssyncadd.s32 s4;
	_ =	sdelay $0x1  }
0xa1: {  	s23 =	simm.s32 $0x1B8B  }
0xa2: {  	_ =	swait.ge [sflag:s23], $0x1  }
0xa3: {  	[sflag:s23] =	ssyncset.done $0x0  }
0xa4: {  	s25 =	simm.s32 $0x1B8E;
	s24 =	sld [smem:$0x3FFE];
	[sflag:s23] =	ssyncadd.s32 $0xFFFFFFFF  }
0xa5: {  	s26 =	simm.s32 $execute0_lowered;
	[smem:$0x3FD2] =	sst s25  }
0xa6: {  	s5 =	sshll.u32 s26, $0x1;
	_ =	strace $0x80000049;
	[dreg:$0x1] =	wrdreg $0xFFFFFFFF  }
0xa7: {  	s28 =	simm.s32 $_size_execute0_lowered;
	s3 =	sadd.s32 s3, s5;
	[dreg:$0x0] =	wrdreg $0x0  }
0xa8: {  	s5 =	sshll.u32 s28, $0x1;
	[dreg:$0x2] =	wrdreg s3  }
0xa9: {  	[dreg:$0x3] =	wrdreg s5  }
0xaa: {  	[dreg:$0x4] =	wrdreg $0xC0  }
0xab: {  	_ =	task [dreg:s7], $0x5FFFF  }
0xac: {  	[dreg:$0x1] =	wrdreg $0xFFFFFFFF  }
0xad: {  	[dreg:$0x0] =	wrdreg $0x60  }
0xae: {  	[dreg:$0x2] =	wrdreg s24  }
0xaf: {  	[dreg:$0x3] =	wrdreg s2  }
0xb0: {  	[dreg:$0x4] =	wrdreg $0x90000  }
0xb1: {  	[dreg:$0x5] =	wrdreg $0x9  }
0xb2: {  	_ =	task.clear_ibuf [dreg:s7], $0x6FFFF;
	_ =	strace $0x90000049  }
0xb3: {  	s29 =	simm.s32 $0x9;
	_ =	strace $0x8000004B  }
0xb4: {  	_ =	swait.ge [sflag:s29], $0x1  }
0xb5: {  	[sflag:s29] =	ssyncadd.s32 $0xFFFFFFFF  }
0xb6: {  	_ =	strace $0x9000004B  }
0xb7: {  	_ =	sfence  }
0xb8: {  	s30 =	sld [smem:$0x0];
	_ =	sdelay $0x2  }
0xb9: {  	s31 =	sshll.u32 s1, $0xD;
	s1 =	sshrl.u32 s1, $0x2  }
0xba: {  	s3 =	sand.u32 $0x4000, s31;
	s1 =	sadd.s32 s1, s30  }
0xbb: {  	s0 =	sor.u32 s3, s0;
	s1 =	sshll.u32 s1, $0x11  }
0xbc: {  	s0 =	sor.u32 s1, s0  }
0xbd: {  	s0 =	sadd.s32 $0x8F2B, s0  }
0xbe: {  	[sflag:s0] =	ssyncadd.remote.s32 $0x1  }
0xbf: {  	_ =	sfence.sel $0xFFFF  }
0xc0: {  	[dreg:$0x0] =	wrdreg $0xFFFFFFFF;
	(pc) =	sbr.abs _section_cstart, $3  }
0xc1: {  	[dreg:$0x1] =	wrdreg $0xFFFFFFFF  }
0xc2: {  	_ =	task.clear_ibuf [dreg:s7], $0x2FFFF;
	_ =	strace $0x9FFFFFFF  }
0xc3: {  	(tm) =	ssettm $0x7FFFFFFF  }
tec
execute0_lowered:
.L_overlay_start_1:
0x0: {  	(tag) =	ssettag $0x1  }
0x1: {  	s0 =	rddreg [dreg:$0x0]  }
0x2: {  	s3 =	rddreg [dreg:$0x2]  }
0x3: {  	s4 =	simm.s32 $0x0;
	s1 =	srdreg.scid;
	s17 =	stileid.u32  }
0x4: {  	s12 =	simm.s32 $0x5;
	s13 =	simm.s32 $0x2000;
	s14 =	simm.s32 $0x28  }
0x5: {  	s15 =	simm.s32 $0x4000;
	s16 =	simm.s32 $0x5400;
	s19 =	simm.s32 $0x6800  }
0x6: {  	s20 =	simm.s32 $0x7C00;
	s21 =	simm.s32 $0x1;
	s22 =	simm.s32 $0x2  }
0x7: {  	s23 =	simm.s32 $0x50;
	s24 =	simm.s32 $0x3;
	s30 =	simm.s32 $0x3F80  }
0x8: {  	s31 =	simm.s32 $0x3E00;
	[smem:$0x7FF] =	sst s4;
	s1 =	sand.u32 $0x1, s1  }
0x9: {  	s2 =	smul.u32 $0x2800, s17;
	s7 =	sshll.u32 s17, $0xB;
	s5 =	sadd.s32 $0x22200, s0  }
0xa: {  	s25 =	smul.u32 $0x50000, s17;
	s29 =	sshll.u32 s17, $0x6;
	s6 =	sshll.u32 s1, $0xF  }
0xb: {  	s8 =	smul.u32 $0x28000, s1;
	_ =	strace $0x8000004A;
	s1 =	ssub.s32 $0x2, s1  }
0xc: {  	s17 =	sor.u32 $0x1C05, s29;
	s6 =	sor.u32 s7, s6;
	s26 =	sshrl.u32 s1, $0x1  }
0xd: {  	s28 =	sshrl.u32 s25, $0x2;
	s25 =	simm.s32 $0x4;
	s2 =	sadd.s32 s2, s8  }
0xe: {  	s9 =	sadd.s32 s6, s0;
	s1 =	ssub.s32 s1, s26;
	s0 =	sadd.s32 s2, s0  }
0xf: {  	s6 =	sadd.s32 $0x2200, s9;
	s7 =	sadd.s32 $0x12200, s9;
	s2 =	sadd.s32 s28, s3  }
0x10: {  	s8 =	sadd.s32 $0x2600, s9;
	s9 =	sadd.s32 $0x12600, s9;
	s11 =	smax.u32 s1, $0x1  }
0x11: {  	s10 =	sadd.s32 $0x49400, s0;
	s18 =	sshrl.u32 s2, $0x3;
	s0 =	simm.s32 $0x0  }
.LBB2_1:
0x12: {  	[tilespmem:s4], [sflag:$0x5] =	stream.linear.gather [hbm4b:s6+s4], $0x2000, $0x38;
	[tilespmem:$0x1D000] =	vst v63  }
0x13: {  	_ =	swait.ge [sflag:s12], $0x2000  }
0x14: {  	[sflag:s12] =	ssyncset.done $0x0  }
0x15: {  	[sflag:s12] =	ssyncadd.s32 $0xFFFFE000  }
0x16: {  	[tilespmem:s13], [sflag:$0x5] =	stream.linear.gather [hbm4b:s7+s4], $0x2000, $0x38;
	[tilespmem:$0x1D000] =	vst v63  }
0x17: {  	_ =	swait.ge [sflag:s12], $0x2000  }
0x18: {  	[sflag:s12] =	ssyncset.done $0x0  }
0x19: {  	[sflag:s12] =	ssyncadd.s32 $0xFFFFE000  }
0x1a: {  	[tilespmem:s15], [sflag:$0x1] =	stream.indirect.gather [hbm4b:s5+s14], $0x80, s4, s14, $0xb8;
	[tilespmem:$0x1D000] =	vst v63  }
0x1b: {  	s1 =	rddreg [dreg:$0x1]  }
0x1c: {  	[tilespmem:s16], [sflag:$0x2] =	stream.indirect.gather [hbm4b:s5+s14], $0x80, s14, s14, $0xb8;
	[tilespmem:$0x1D000] =	vst v63  }
0x1d: {  	[spmem:s18], [sflag:s17] =	dma.local [hbm:s1], $0x2800  }
0x1e: {  	_ =	swait.ge [sflag:s12], $0x2800  }
0x1f: {  	[sflag:s12] =	ssyncset.done $0x0  }
0x20: {  	[sflag:s12] =	ssyncadd.s32 $0xFFFFD800  }
0x21: {  	s28 =	simm.s32 $0x80;
	[bflag:$0x0] =	sbarrier.arrive $0xFFFF  }
0x22: {  	[tilespmem:s19], [sflag:$0x3] =	stream.indirect.gather [hbm4b:s5+s14], $0x80, s28, s14, $0xb8;
	[tilespmem:$0x1D000] =	vst v63  }
0x23: {  	s29 =	simm.s32 $0xA8  }
0x24: {  	[tilespmem:s20], [sflag:$0x4] =	stream.indirect.gather [hbm4b:s5+s14], $0x80, s29, s14, $0xb8;
	[tilespmem:$0x1D000] =	vst v63  }
0x25: {  	_ =	swait.ge [sflag:s21], $0x1400  }
0x26: {  	[sflag:s21] =	ssyncset.done $0x0  }
0x27: {  	[sflag:s21] =	ssyncadd.s32 $0xFFFFEC00  }
0x28: {  	_ =	swait.ge [sflag:s22], $0x1400  }
0x29: {  	[sflag:s22] =	ssyncset.done $0x0  }
0x2a: {  	s2 =	simm.s32 $0x2000;
	[sflag:s22] =	ssyncadd.s32 $0xFFFFEC00  }
0x2b: {  	[spmem:s3] =	stream.indirect.scatter.add.f32 [tilespmem:s15], [sflag:$0x5], $0x80, s2, s23, $0xb8;
	[tilespmem:$0x1D000] =	vst v63  }
0x2c: {  	_ =	swait.ge [sflag:s12], $0x2800  }
0x2d: {  	[sflag:s12] =	ssyncset.done $0x0  }
0x2e: {  	s26 =	simm.s32 $0x100;
	[sflag:s12] =	ssyncadd.s32 $0xFFFFD800  }
0x2f: {  	[tilespmem:s15], [sflag:$0x1] =	stream.indirect.gather [hbm4b:s5+s14], $0x80, s26, s14, $0xb8;
	[tilespmem:$0x1D000] =	vst v63  }
0x30: {  	s28 =	simm.s32 $0x128  }
0x31: {  	[tilespmem:s16], [sflag:$0x2] =	stream.indirect.gather [hbm4b:s5+s14], $0x80, s28, s14, $0xb8;
	[tilespmem:$0x1D000] =	vst v63  }
0x32: {  	_ =	swait.ge [sflag:s24], $0x1400  }
0x33: {  	[sflag:s24] =	ssyncset.done $0x0  }
0x34: {  	[sflag:s24] =	ssyncadd.s32 $0xFFFFEC00  }
0x35: {  	_ =	swait.ge [sflag:s25], $0x1400  }
0x36: {  	[sflag:s25] =	ssyncset.done $0x0  }
0x37: {  	s29 =	simm.s32 $0x2080;
	[sflag:s25] =	ssyncadd.s32 $0xFFFFEC00  }
0x38: {  	[spmem:s3] =	stream.indirect.scatter.add.f32 [tilespmem:s19], [sflag:$0x5], $0x80, s29, s23, $0xb8;
	[tilespmem:$0x1D000] =	vst v63  }
0x39: {  	_ =	swait.ge [sflag:s12], $0x2800  }
0x3a: {  	s1 =	simm.s32 $0x800;
	s2 =	simm.s32 $0x100;
	[sflag:s12] =	ssyncset.done $0x0  }
.LBB2_2:
0x3b: {  	s26 =	sadd.s32 $0x80, s2  }
0x3c: {  	[sflag:s12] =	ssyncadd.s32 $0xFFFFD800;
	s28 =	smov.u32 s1;
	s29 =	sadd.s32 $0x400, s1  }
0x3d: {  	[tilespmem:s19], [sflag:$0x3] =	stream.indirect.gather [hbm4b:s5+s14], $0x80, s26, s14, $0xb8;
	[tilespmem:$0x1D000] =	vst v63  }
0x3e: {  	p0 =	sne.s32 s1, $0x7800;
	s1 =	sadd.s32 $0xA8, s2  }
0x3f: {  	[tilespmem:s20], [sflag:$0x4] =	stream.indirect.gather [hbm4b:s5+s14], $0x80, s1, s14, $0xb8;
	[tilespmem:$0x1D000] =	vst v63  }
0x40: {  	_ =	swait.ge [sflag:s21], $0x1400  }
0x41: {  	[sflag:s21] =	ssyncset.done $0x0  }
0x42: {  	[sflag:s21] =	ssyncadd.s32 $0xFFFFEC00  }
0x43: {  	_ =	swait.ge [sflag:s22], $0x1400  }
0x44: {  	[sflag:s22] =	ssyncset.done $0x0  }
0x45: {  	s1 =	sadd.s32 $0x2000, s2;
	[sflag:s22] =	ssyncadd.s32 $0xFFFFEC00  }
0x46: {  	[spmem:s3] =	stream.indirect.scatter.add.f32 [tilespmem:s15], [sflag:$0x5], $0x80, s1, s23, $0xb8;
	[tilespmem:$0x1D000] =	vst v63  }
0x47: {  	_ =	swait.ge [sflag:s12], $0x2800  }
0x48: {  	[sflag:s12] =	ssyncset.done $0x0  }
0x49: {  	s1 =	sadd.s32 $0x100, s2;
	[sflag:s12] =	ssyncadd.s32 $0xFFFFD800  }
0x4a: {  	[tilespmem:s15], [sflag:$0x1] =	stream.indirect.gather [hbm4b:s5+s14], $0x80, s1, s14, $0xb8;
	[tilespmem:$0x1D000] =	vst v63  }
0x4b: {  	s1 =	sadd.s32 $0x128, s2  }
0x4c: {  	[tilespmem:s16], [sflag:$0x2] =	stream.indirect.gather [hbm4b:s5+s14], $0x80, s1, s14, $0xb8;
	[tilespmem:$0x1D000] =	vst v63  }
0x4d: {  	_ =	swait.ge [sflag:s24], $0x1400  }
0x4e: {  	[sflag:s24] =	ssyncset.done $0x0  }
0x4f: {  	[sflag:s24] =	ssyncadd.s32 $0xFFFFEC00  }
0x50: {  	_ =	swait.ge [sflag:s25], $0x1400  }
.Ltmp0:
0x51: {  	[sflag:s25] =	ssyncset.done $0x0;
	(pc) =	sbr.rel @p0 .LBB2_2-.Ltmp0, $4  }
0x52: {  	s1 =	sadd.s32 $0x2080, s2;
	[sflag:s25] =	ssyncadd.s32 $0xFFFFEC00  }
0x53: {  	[spmem:s3] =	stream.indirect.scatter.add.f32 [tilespmem:s19], [sflag:$0x5], $0x80, s1, s23, $0xb8;
	[tilespmem:$0x1D000] =	vst v63  }
0x54: {  	_ =	swait.ge [sflag:s12], $0x2800  }
0x55: {  	s2 =	sshra.s32 s28, $0x2;
	s1 =	smov.u32 s29;
	[sflag:s12] =	ssyncset.done $0x0  }
0x56: {  	s1 =	sadd.s32 $0x80, s2;
	[sflag:s12] =	ssyncadd.s32 $0xFFFFD800  }
0x57: {  	[tilespmem:s19], [sflag:$0x3] =	stream.indirect.gather [hbm4b:s5+s14], $0x80, s1, s14, $0xb8;
	[tilespmem:$0x1D000] =	vst v63  }
0x58: {  	s29 =	sadd.s32 $0xA8, s2  }
0x59: {  	[tilespmem:s20], [sflag:$0x4] =	stream.indirect.gather [hbm4b:s5+s14], $0x80, s29, s14, $0xb8;
	[tilespmem:$0x1D000] =	vst v63  }
0x5a: {  	_ =	swait.ge [sflag:s21], $0x1400  }
0x5b: {  	[sflag:s21] =	ssyncset.done $0x0  }
0x5c: {  	[sflag:s21] =	ssyncadd.s32 $0xFFFFEC00  }
0x5d: {  	_ =	swait.ge [sflag:s22], $0x1400  }
0x5e: {  	[sflag:s22] =	ssyncset.done $0x0  }
0x5f: {  	s26 =	sadd.s32 $0x2000, s2;
	[sflag:s22] =	ssyncadd.s32 $0xFFFFEC00  }
0x60: {  	[spmem:s3] =	stream.indirect.scatter.add.f32 [tilespmem:s15], [sflag:$0x5], $0x80, s26, s23, $0xb8;
	[tilespmem:$0x1D000] =	vst v63  }
0x61: {  	_ =	swait.ge [sflag:s12], $0x2800  }
0x62: {  	[sflag:s12] =	ssyncset.done $0x0  }
0x63: {  	s28 =	sadd.s32 $0x100, s2;
	[sflag:s12] =	ssyncadd.s32 $0xFFFFD800  }
0x64: {  	[tilespmem:s15], [sflag:$0x1] =	stream.indirect.gather [hbm4b:s5+s14], $0x80, s28, s14, $0xb8;
	[tilespmem:$0x1D000] =	vst v63  }
0x65: {  	s29 =	sadd.s32 $0x128, s2  }
0x66: {  	[tilespmem:s16], [sflag:$0x2] =	stream.indirect.gather [hbm4b:s5+s14], $0x80, s29, s14, $0xb8;
	[tilespmem:$0x1D000] =	vst v63  }
0x67: {  	_ =	swait.ge [sflag:s24], $0x1400  }
0x68: {  	[sflag:s24] =	ssyncset.done $0x0  }
0x69: {  	[sflag:s24] =	ssyncadd.s32 $0xFFFFEC00  }
0x6a: {  	_ =	swait.ge [sflag:s25], $0x1400  }
0x6b: {  	[sflag:s25] =	ssyncset.done $0x0  }
0x6c: {  	s26 =	sadd.s32 $0x2080, s2;
	[sflag:s25] =	ssyncadd.s32 $0xFFFFEC00  }
0x6d: {  	[spmem:s3] =	stream.indirect.scatter.add.f32 [tilespmem:s19], [sflag:$0x5], $0x80, s26, s23, $0xb8;
	[tilespmem:$0x1D000] =	vst v63  }
0x6e: {  	_ =	swait.ge [sflag:s12], $0x2800  }
0x6f: {  	[sflag:s12] =	ssyncset.done $0x0  }
0x70: {  	s28 =	simm.s32 $0x1F80;
	[sflag:s12] =	ssyncadd.s32 $0xFFFFD800  }
0x71: {  	[tilespmem:s19], [sflag:$0x3] =	stream.indirect.gather [hbm4b:s5+s14], $0x80, s28, s14, $0xb8;
	[tilespmem:$0x1D000] =	vst v63  }
0x72: {  	s29 =	simm.s32 $0x1FA8  }
0x73: {  	[tilespmem:s20], [sflag:$0x4] =	stream.indirect.gather [hbm4b:s5+s14], $0x80, s29, s14, $0xb8;
	[tilespmem:$0x1D000] =	vst v63  }
0x74: {  	_ =	swait.ge [sflag:s21], $0x1400  }
0x75: {  	[sflag:s21] =	ssyncset.done $0x0  }
0x76: {  	[sflag:s21] =	ssyncadd.s32 $0xFFFFEC00  }
0x77: {  	_ =	swait.ge [sflag:s22], $0x1400  }
0x78: {  	[sflag:s22] =	ssyncset.done $0x0  }
0x79: {  	s2 =	simm.s32 $0x3F00;
	[sflag:s22] =	ssyncadd.s32 $0xFFFFEC00  }
0x7a: {  	[spmem:s3] =	stream.indirect.scatter.add.f32 [tilespmem:s15], [sflag:$0x5], $0x80, s2, s23, $0xb8;
	[tilespmem:$0x1D000] =	vst v63  }
0x7b: {  	_ =	swait.ge [sflag:s12], $0x2800  }
0x7c: {  	[sflag:s12] =	ssyncset.done $0x0  }
0x7d: {  	[sflag:s12] =	ssyncadd.s32 $0xFFFFD800  }
0x7e: {  	_ =	swait.ge [sflag:s24], $0x1400  }
0x7f: {  	[sflag:s24] =	ssyncset.done $0x0  }
0x80: {  	[sflag:s24] =	ssyncadd.s32 $0xFFFFEC00  }
0x81: {  	_ =	swait.ge [sflag:s25], $0x1400  }
0x82: {  	[sflag:s25] =	ssyncset.done $0x0  }
0x83: {  	[sflag:s25] =	ssyncadd.s32 $0xFFFFEC00  }
0x84: {  	[spmem:s3] =	stream.indirect.scatter.add.f32 [tilespmem:s19], [sflag:$0x5], $0x80, s30, s23, $0xb8;
	[tilespmem:$0x1D000] =	vst v63  }
0x85: {  	_ =	swait.ge [sflag:s12], $0x2800  }
0x86: {  	[sflag:s12] =	ssyncset.done $0x0  }
0x87: {  	s26 =	simm.s32 $0x0;
	[sflag:s12] =	ssyncadd.s32 $0xFFFFD800  }
0x88: {  	[tilespmem:s26], [sflag:$0x5] =	stream.linear.gather [hbm4b:s8+s26], $0x1E80, $0x38;
	[tilespmem:$0x1D000] =	vst v63  }
0x89: {  	_ =	swait.ge [sflag:s12], $0x1E80  }
0x8a: {  	[sflag:s12] =	ssyncset.done $0x0  }
0x8b: {  	[sflag:s12] =	ssyncadd.s32 $0xFFFFE180  }
0x8c: {  	[tilespmem:s13], [sflag:$0x5] =	stream.linear.gather [hbm4b:s9+s26], $0x1E80, $0x38;
	[tilespmem:$0x1D000] =	vst v63  }
0x8d: {  	_ =	swait.ge [sflag:s12], $0x1E80  }
0x8e: {  	[sflag:s12] =	ssyncset.done $0x0  }
0x8f: {  	[sflag:s12] =	ssyncadd.s32 $0xFFFFE180  }
0x90: {  	[tilespmem:s15], [sflag:$0x1] =	stream.indirect.gather [hbm4b:s5+s14], $0x80, s26, s14, $0xb8;
	[tilespmem:$0x1D000] =	vst v63  }
0x91: {  	_ = 	snop  }
0x92: {  	[tilespmem:s16], [sflag:$0x2] =	stream.indirect.gather [hbm4b:s5+s14], $0x80, s14, s14, $0xb8;
	[tilespmem:$0x1D000] =	vst v63  }
0x93: {  	s28 =	simm.s32 $0x80  }
0x94: {  	[tilespmem:s19], [sflag:$0x3] =	stream.indirect.gather [hbm4b:s5+s14], $0x80, s28, s14, $0xb8;
	[tilespmem:$0x1D000] =	vst v63  }
0x95: {  	s29 =	simm.s32 $0xA8  }
0x96: {  	[tilespmem:s20], [sflag:$0x4] =	stream.indirect.gather [hbm4b:s5+s14], $0x80, s29, s14, $0xb8;
	[tilespmem:$0x1D000] =	vst v63  }
0x97: {  	_ =	swait.ge [sflag:s21], $0x1400  }
0x98: {  	[sflag:s21] =	ssyncset.done $0x0  }
0x99: {  	[sflag:s21] =	ssyncadd.s32 $0xFFFFEC00  }
0x9a: {  	_ =	swait.ge [sflag:s22], $0x1400  }
0x9b: {  	[sflag:s22] =	ssyncset.done $0x0  }
0x9c: {  	s2 =	simm.s32 $0x2000;
	[sflag:s22] =	ssyncadd.s32 $0xFFFFEC00  }
0x9d: {  	[spmem:s3] =	stream.indirect.scatter.add.f32 [tilespmem:s15], [sflag:$0x5], $0x80, s2, s23, $0xb8;
	[tilespmem:$0x1D000] =	vst v63  }
0x9e: {  	_ =	swait.ge [sflag:s12], $0x2800  }
0x9f: {  	[sflag:s12] =	ssyncset.done $0x0  }
0xa0: {  	s26 =	simm.s32 $0x100;
	[sflag:s12] =	ssyncadd.s32 $0xFFFFD800  }
0xa1: {  	[tilespmem:s15], [sflag:$0x1] =	stream.indirect.gather [hbm4b:s5+s14], $0x80, s26, s14, $0xb8;
	[tilespmem:$0x1D000] =	vst v63  }
0xa2: {  	s28 =	simm.s32 $0x128  }
0xa3: {  	[tilespmem:s16], [sflag:$0x2] =	stream.indirect.gather [hbm4b:s5+s14], $0x80, s28, s14, $0xb8;
	[tilespmem:$0x1D000] =	vst v63  }
0xa4: {  	_ =	swait.ge [sflag:s24], $0x1400  }
0xa5: {  	[sflag:s24] =	ssyncset.done $0x0  }
0xa6: {  	[sflag:s24] =	ssyncadd.s32 $0xFFFFEC00  }
0xa7: {  	_ =	swait.ge [sflag:s25], $0x1400  }
0xa8: {  	[sflag:s25] =	ssyncset.done $0x0  }
0xa9: {  	s29 =	simm.s32 $0x2080;
	[sflag:s25] =	ssyncadd.s32 $0xFFFFEC00  }
0xaa: {  	[spmem:s3] =	stream.indirect.scatter.add.f32 [tilespmem:s19], [sflag:$0x5], $0x80, s29, s23, $0xb8;
	[tilespmem:$0x1D000] =	vst v63  }
0xab: {  	_ =	swait.ge [sflag:s12], $0x2800  }
0xac: {  	s1 =	simm.s32 $0x800;
	s2 =	simm.s32 $0x100;
	[sflag:s12] =	ssyncset.done $0x0  }
.LBB2_4:
0xad: {  	s26 =	sadd.s32 $0x80, s2  }
0xae: {  	[sflag:s12] =	ssyncadd.s32 $0xFFFFD800;
	s28 =	smov.u32 s1;
	s29 =	sadd.s32 $0x400, s1  }
0xaf: {  	[tilespmem:s19], [sflag:$0x3] =	stream.indirect.gather [hbm4b:s5+s14], $0x80, s26, s14, $0xb8;
	[tilespmem:$0x1D000] =	vst v63  }
0xb0: {  	p0 =	sne.s32 s1, $0x7400;
	s1 =	sadd.s32 $0xA8, s2  }
0xb1: {  	[tilespmem:s20], [sflag:$0x4] =	stream.indirect.gather [hbm4b:s5+s14], $0x80, s1, s14, $0xb8;
	[tilespmem:$0x1D000] =	vst v63  }
0xb2: {  	_ =	swait.ge [sflag:s21], $0x1400  }
0xb3: {  	[sflag:s21] =	ssyncset.done $0x0  }
0xb4: {  	[sflag:s21] =	ssyncadd.s32 $0xFFFFEC00  }
0xb5: {  	_ =	swait.ge [sflag:s22], $0x1400  }
0xb6: {  	[sflag:s22] =	ssyncset.done $0x0  }
0xb7: {  	s1 =	sadd.s32 $0x2000, s2;
	[sflag:s22] =	ssyncadd.s32 $0xFFFFEC00  }
0xb8: {  	[spmem:s3] =	stream.indirect.scatter.add.f32 [tilespmem:s15], [sflag:$0x5], $0x80, s1, s23, $0xb8;
	[tilespmem:$0x1D000] =	vst v63  }
0xb9: {  	_ =	swait.ge [sflag:s12], $0x2800  }
0xba: {  	[sflag:s12] =	ssyncset.done $0x0  }
0xbb: {  	s1 =	sadd.s32 $0x100, s2;
	[sflag:s12] =	ssyncadd.s32 $0xFFFFD800  }
0xbc: {  	[tilespmem:s15], [sflag:$0x1] =	stream.indirect.gather [hbm4b:s5+s14], $0x80, s1, s14, $0xb8;
	[tilespmem:$0x1D000] =	vst v63  }
0xbd: {  	s1 =	sadd.s32 $0x128, s2  }
0xbe: {  	[tilespmem:s16], [sflag:$0x2] =	stream.indirect.gather [hbm4b:s5+s14], $0x80, s1, s14, $0xb8;
	[tilespmem:$0x1D000] =	vst v63  }
0xbf: {  	_ =	swait.ge [sflag:s24], $0x1400  }
0xc0: {  	[sflag:s24] =	ssyncset.done $0x0  }
0xc1: {  	[sflag:s24] =	ssyncadd.s32 $0xFFFFEC00  }
0xc2: {  	_ =	swait.ge [sflag:s25], $0x1400  }
.Ltmp1:
0xc3: {  	[sflag:s25] =	ssyncset.done $0x0;
	(pc) =	sbr.rel @p0 .LBB2_4-.Ltmp1, $4  }
0xc4: {  	s1 =	sadd.s32 $0x2080, s2;
	[sflag:s25] =	ssyncadd.s32 $0xFFFFEC00  }
0xc5: {  	[spmem:s3] =	stream.indirect.scatter.add.f32 [tilespmem:s19], [sflag:$0x5], $0x80, s1, s23, $0xb8;
	[tilespmem:$0x1D000] =	vst v63  }
0xc6: {  	_ =	swait.ge [sflag:s12], $0x2800  }
0xc7: {  	s2 =	sshra.s32 s28, $0x2;
	s1 =	smov.u32 s29;
	[sflag:s12] =	ssyncset.done $0x0  }
0xc8: {  	s1 =	sadd.s32 $0x80, s2;
	[sflag:s12] =	ssyncadd.s32 $0xFFFFD800  }
0xc9: {  	[tilespmem:s19], [sflag:$0x3] =	stream.indirect.gather [hbm4b:s5+s14], $0x80, s1, s14, $0xb8;
	[tilespmem:$0x1D000] =	vst v63  }
0xca: {  	s28 =	sadd.s32 $0xA8, s2  }
0xcb: {  	[tilespmem:s20], [sflag:$0x4] =	stream.indirect.gather [hbm4b:s5+s14], $0x80, s28, s14, $0xb8;
	[tilespmem:$0x1D000] =	vst v63  }
0xcc: {  	_ =	swait.ge [sflag:s21], $0x1400  }
0xcd: {  	[sflag:s21] =	ssyncset.done $0x0  }
0xce: {  	[sflag:s21] =	ssyncadd.s32 $0xFFFFEC00  }
0xcf: {  	_ =	swait.ge [sflag:s22], $0x1400  }
0xd0: {  	[sflag:s22] =	ssyncset.done $0x0  }
0xd1: {  	s29 =	sadd.s32 $0x2000, s2;
	[sflag:s22] =	ssyncadd.s32 $0xFFFFEC00  }
0xd2: {  	[spmem:s3] =	stream.indirect.scatter.add.f32 [tilespmem:s15], [sflag:$0x5], $0x80, s29, s23, $0xb8;
	[tilespmem:$0x1D000] =	vst v63  }
0xd3: {  	_ =	swait.ge [sflag:s12], $0x2800  }
0xd4: {  	[sflag:s12] =	ssyncset.done $0x0  }
0xd5: {  	s26 =	sadd.s32 $0x100, s2;
	[sflag:s12] =	ssyncadd.s32 $0xFFFFD800  }
0xd6: {  	[tilespmem:s15], [sflag:$0x1] =	stream.indirect.gather [hbm4b:s5+s14], $0x80, s26, s14, $0xb8;
	[tilespmem:$0x1D000] =	vst v63  }
0xd7: {  	s28 =	sadd.s32 $0x128, s2  }
0xd8: {  	[tilespmem:s16], [sflag:$0x2] =	stream.indirect.gather [hbm4b:s5+s14], $0x80, s28, s14, $0xb8;
	[tilespmem:$0x1D000] =	vst v63  }
0xd9: {  	_ =	swait.ge [sflag:s24], $0x1400  }
0xda: {  	[sflag:s24] =	ssyncset.done $0x0  }
0xdb: {  	[sflag:s24] =	ssyncadd.s32 $0xFFFFEC00  }
0xdc: {  	_ =	swait.ge [sflag:s25], $0x1400  }
0xdd: {  	[sflag:s25] =	ssyncset.done $0x0  }
0xde: {  	s29 =	sadd.s32 $0x2080, s2;
	[sflag:s25] =	ssyncadd.s32 $0xFFFFEC00  }
0xdf: {  	[spmem:s3] =	stream.indirect.scatter.add.f32 [tilespmem:s19], [sflag:$0x5], $0x80, s29, s23, $0xb8;
	[tilespmem:$0x1D000] =	vst v63  }
0xe0: {  	_ =	swait.ge [sflag:s12], $0x2800  }
0xe1: {  	[sflag:s12] =	ssyncset.done $0x0  }
0xe2: {  	[sflag:s12] =	ssyncadd.s32 $0xFFFFD800  }
0xe3: {  	_ =	swait.ge [sflag:s21], $0x1400  }
0xe4: {  	[sflag:s21] =	ssyncset.done $0x0  }
0xe5: {  	[sflag:s21] =	ssyncadd.s32 $0xFFFFEC00  }
0xe6: {  	_ =	swait.ge [sflag:s22], $0x1400  }
0xe7: {  	[sflag:s22] =	ssyncset.done $0x0  }
0xe8: {  	[sflag:s22] =	ssyncadd.s32 $0xFFFFEC00  }
0xe9: {  	[spmem:s3] =	stream.indirect.scatter.add.f32 [tilespmem:s15], [sflag:$0x5], $0x80, s31, s23, $0xb8;
	[tilespmem:$0x1D000] =	vst v63  }
0xea: {  	_ =	swait.ge [sflag:s12], $0x2800  }
0xeb: {  	s0 =	sadd.s32 $0x1, s0;
	[sflag:s12] =	ssyncset.done $0x0  }
0xec: {  	p0 =	sne.s32 s0, s11;
	[sflag:s12] =	ssyncadd.s32 $0xFFFFD800  }
.Ltmp2:
0xed: {  	[bflag:$0x0] =	sbarrier.arrive $0xFFFF;
	(pc) =	sbr.rel @p0 .LBB2_1-.Ltmp2, $4  }
0xee: {  	[hbm:s10], [sflag:s17] =	dma.local [spmem:s18], $0x2800  }
0xef: {  	_ =	swait.ge [sflag:s12], $0x2800  }
0xf0: {  	[sflag:s12] =	ssyncset.done $0x0  }
0xf1: {  	[sflag:s12] =	ssyncadd.s32 $0xFFFFD800  }
0xf2: {  	_ =	sfence.sel $0x180000  }
0xf3: {  	[bflag:$0x0] =	sbarrier.arrive $0xFFFF  }
0xf4: {  	_ =	strace $0x9000004A  }
0xf5: {  	s0 =	stileid.u32;
	[bflag:$0x2] =	sbarrier.arrive $0xFFFF  }
0xf6: {  	p0 =	sne.s32 s0, $0x0;
	s0 =	rddreg [dreg:$0x3]  }
0xf7: {  	s0 =	sadd.s32 @!p0 $0x100000, s0  }
0xf8: {  	[sflag:s0] =	ssyncadd.tile.s32 @!p0 $0x1;
	_ =	shalt  }
.Lfunc_end2:
_tile_overlayer_lowered:
.L_overlay_start_2:
0xf9: {  	(tag) =	ssettag $0x2  }
0xfa: {  	s0 =	rddreg [dreg:$0x0];
	s2 =	stileid.u32  }
0xfb: {  	s1 =	rddreg [dreg:$0x1];
	p0 =	sne.s32 s2, $0x0  }
0xfc: {  	s3 =	rddreg [dreg:$0x2];
	[bflag:$0x3] =	sbarrier.arrive $0xFFFF;
	s2 =	simm.s32 @!p0 $0x1C05  }
0xfd: {  	[timem:s3], [sflag:s2] =	dma.local @!p0 [hbm:s0], s1  }
0xfe: {  	s0 =	simm.s32 @!p0 $0x5  }
0xff: {  	_ =	swait.ge @!p0 [sflag:s0], s1  }
0x100: {  	s1 =	ssub.s32 @!p0 $0x0, s1;
	[sflag:s0] =	ssyncset.done @!p0 $0x0  }
0x101: {  	[sflag:s0] =	ssyncadd.s32 @!p0 s1  }
0x102: {  	[bflag:$0x3] =	sbarrier.arrive $0xFFFF  }
0x103: {  	_ =	shalt  }

// kernel: kernel.7.cloned.1.call-start
scs
__scs_entry_jumppad:
0x0: {  	(pc) =	sbr.rel $0x88, $3  }
0x1: {  	(tag) =	ssettag $0x0;
	lr =	simm.s32 $0x1  }
0x2: {  	[smem:$0x3F97] =	sst lr;
	_ =	strace $0xD0000000  }
0x3: {  	_ = 	snop  }
0x4: {  	_ = 	snop  }
0x5: {  	_ = 	snop  }
0x6: {  	_ = 	snop  }
0x7: {  	_ = 	snop  }
__scs_overlays_trampoline_lowered:
0x8: {  	[smem:$0x3FA6] =	sst s0  }
0x9: {  	[smem:$0x3FA7] =	sst s1  }
0xa: {  	[smem:$0x3FA8] =	sst s2  }
0xb: {  	[smem:$0x3FA9] =	sst s3  }
0xc: {  	[smem:$0x3FAA] =	sst s4  }
0xd: {  	[smem:$0x3FAB] =	sst s5  }
0xe: {  	[smem:$0x3FAC] =	sst s6  }
0xf: {  	[smem:$0x3FAD] =	sst s7  }
0x10: {  	[smem:$0x3FAE] =	sst s8  }
0x11: {  	[smem:$0x3FAF] =	sst s9;
	s0 =	simm.s32 @!p0 $0x0  }
0x12: {  	s1 =	sld [smem:$0x3F95];
	s0 =	simm.s32 @p0 $0x1  }
0x13: {  	[smem:$0x3FB0] =	sst s0;
	s0 =	simm.s32 @!p1 $0x0  }
0x14: {  	s2 =	sld [smem:$0x3F94];
	s0 =	simm.s32 @p1 $0x1  }
0x15: {  	[smem:$0x3FB1] =	sst s0;
	s0 =	simm.s32 @!p2 $0x0  }
0x16: {  	s3 =	sld [smem:$0x3FDB];
	s0 =	simm.s32 @p2 $0x1  }
0x17: {  	s4 =	simm.s32 $0x1BF5;
	[smem:$0x3FB3] =	sst s0  }
0x18: {  	s0 =	sld [smem:$0x3F96];
	_ =	swait.ge [sflag:s4], $0x0  }
0x19: {  	s7 =	sld [smem:$0x3F97]  }
0x1a: {  	s8 =	sadd.s32 $0xFFFFE003, lr  }
0x1b: {  	s9 =	sadd.s32 $0xFFFFFEF7, lr;
	s5 =	simm.s32 $0xFFFFFFFF;
	p2 =	slt.u32 s8, $0xFFFFF086  }
0x1c: {  	p1 =	slt.u32 s9, $0xF7A;
	s5 =	simm.s32 @!p2 $0x0  }
0x1d: {  	s5 =	simm.s32 @p1 $0x1;
	p0 =	seq.s32 s7, s2  }
0x1e: {  	s7 =	smul.u32 @!p0 $0xF7A, s2;
	p2 =	seq.s32 @!p0 s5, $0x0  }
0x1f: {  	s9 =	smul.u32 $0xF7A, s1;
	s8 =	simm.s32 @!p0 $0x1BF5;
	p2 =	por !p2, p0  }
0x20: {  	[sflag:s8] =	ssyncset.s32 @!p0 $0xFFFFF086;
	s6 =	sadd.s32 @!p0 s3, s7;
	s7 =	simm.s32 @!p0 $0x108  }
0x21: {  	s3 =	sadd.s32 s3, s9;
	s6 =	sadd.s32 @!p0 $0x88, s6;
	s7 =	simm.s32 @p2 $0x1082  }
0x22: {  	[simem:s7], [sflag:s8] =	dma.local @!p0 [hbm:s6], $0xF7A  }
0x23: {  	s9 =	sor.u32 $0xD0000000, s2;
	s6 =	simm.s32 $0x108;
	_ =	swait.ge @!p0 [sflag:s8], $0x0  }
0x24: {  	s3 =	sadd.s32 $0x88, s3;
	s6 =	simm.s32 @!p1 $0x1082;
	[sflag:s4] =	ssyncset.s32 $0xFFFFF086  }
0x25: {  	[simem:s6], [sflag:s4] =	dma.local [hbm:s3], $0xF7A  }
0x26: {  	[smem:$0x3F97] =	sst s1;
	(tag) =	ssettag s2;
	_ =	strace s9  }
0x27: {  	s1 =	sld [smem:$0x3FA7]  }
0x28: {  	s2 =	sld [smem:$0x3FA8]  }
0x29: {  	s4 =	sld [smem:$0x3FAA]  }
0x2a: {  	p0 =	seq.s32 s5, $0x0;
	s5 =	sld [smem:$0x3FAB]  }
0x2b: {  	s6 =	sld [smem:$0x3FAC]  }
0x2c: {  	s7 =	sld [smem:$0x3FAD]  }
0x2d: {  	s3 =	simm.s32 $0x108;
	s8 =	sld [smem:$0x3FAE]  }
0x2e: {  	s3 =	simm.s32 @!p0 $0x1082;
	s9 =	sld [smem:$0x3FAF]  }
0x2f: {  	lr =	sadd.s32 s0, s3;
	s0 =	sld [smem:$0x3FA6]  }
0x30: {  	s3 =	sld [smem:$0x3FA9]  }
0x31: {  	[smem:$0x3FB2] =	sst s10  }
0x32: {  	s10 =	sld [smem:$0x3FB0];
	_ =	sdelay $0x3  }
0x33: {  	p0 =	seq.s32 s10, $0x1;
	s10 =	sld [smem:$0x3FB2];
	_ =	sdelay $0x3  }
0x34: {  	[smem:$0x3FB2] =	sst s10  }
0x35: {  	s10 =	sld [smem:$0x3FB1];
	_ =	sdelay $0x3  }
0x36: {  	p1 =	seq.s32 s10, $0x1;
	s10 =	sld [smem:$0x3FB2];
	_ =	sdelay $0x3  }
0x37: {  	[smem:$0x3FB2] =	sst s10  }
0x38: {  	s10 =	sld [smem:$0x3FB3]  }
0x39: {  	_ = 	snop;
	(pc) =	sbr.ind lr, $3  }
0x3a: {  	_ = 	snop  }
0x3b: {  	_ = 	snop  }
0x3c: {  	p2 =	seq.s32 s10, $0x1;
	s10 =	sld [smem:$0x3FB2]  }
0x3d: {  	_ =	shalt  }
0x3e: {  	_ =	shalt  }
0x3f: {  	_ =	shalt  }
0x40: {  	_ =	shalt  }
0x41: {  	_ =	shalt  }
0x42: {  	_ =	shalt  }
0x43: {  	_ =	shalt  }
0x44: {  	_ =	shalt  }
0x45: {  	_ =	shalt  }
0x46: {  	_ =	shalt  }
0x47: {  	_ =	shalt  }
0x48: {  	_ =	shalt  }
0x49: {  	_ =	shalt  }
0x4a: {  	_ =	shalt  }
0x4b: {  	_ =	shalt  }
0x4c: {  	_ =	shalt  }
0x4d: {  	_ =	shalt  }
0x4e: {  	_ =	shalt  }
0x4f: {  	_ =	shalt  }
0x50: {  	_ =	shalt  }
0x51: {  	_ =	shalt  }
0x52: {  	_ =	shalt  }
0x53: {  	_ =	shalt  }
0x54: {  	_ =	shalt  }
0x55: {  	_ =	shalt  }
0x56: {  	_ =	shalt  }
0x57: {  	_ =	shalt  }
0x58: {  	_ =	shalt  }
0x59: {  	_ =	shalt  }
0x5a: {  	_ =	shalt  }
0x5b: {  	_ =	shalt  }
0x5c: {  	_ =	shalt  }
0x5d: {  	_ =	shalt  }
0x5e: {  	_ =	shalt  }
0x5f: {  	_ =	shalt  }
0x60: {  	_ =	shalt  }
0x61: {  	_ =	shalt  }
0x62: {  	_ =	shalt  }
0x63: {  	_ =	shalt  }
0x64: {  	_ =	shalt  }
0x65: {  	_ =	shalt  }
0x66: {  	_ =	shalt  }
0x67: {  	_ =	shalt  }
0x68: {  	_ =	shalt  }
0x69: {  	_ =	shalt  }
0x6a: {  	_ =	shalt  }
0x6b: {  	_ =	shalt  }
0x6c: {  	_ =	shalt  }
0x6d: {  	_ =	shalt  }
0x6e: {  	_ =	shalt  }
0x6f: {  	_ =	shalt  }
0x70: {  	_ =	shalt  }
0x71: {  	_ =	shalt  }
0x72: {  	_ =	shalt  }
0x73: {  	_ =	shalt  }
0x74: {  	_ =	shalt  }
0x75: {  	_ =	shalt  }
0x76: {  	_ =	shalt  }
0x77: {  	_ =	shalt  }
0x78: {  	_ =	shalt  }
0x79: {  	_ =	shalt  }
0x7a: {  	_ =	shalt  }
0x7b: {  	_ =	shalt  }
0x7c: {  	_ =	shalt  }
0x7d: {  	_ =	shalt  }
0x7e: {  	_ =	shalt  }
0x7f: {  	_ =	shalt  }
0x80: {  	_ =	shalt  }
0x81: {  	_ =	shalt  }
0x82: {  	_ =	shalt  }
0x83: {  	_ =	shalt  }
0x84: {  	_ =	shalt  }
0x85: {  	_ =	shalt  }
0x86: {  	_ =	shalt  }
0x87: {  	_ =	shalt  }
.Lfunc_end0:
.L_simem_size_0:
called_computation_lowered:
.L_overlay_start_0:
0x88: {  	s2 =	sld [smem:$0x3FD9]  }
0x89: {  	s3 =	sld [smem:$0x3FFE];
	_ =	sdelay $0x1  }
0x8a: {  	s1 =	srdreg.scid  }
0x8b: {  	s0 =	sand.u32 $0x1, s1  }
0x8c: {  	s17 =	sshll.u32 s0, $0xA;
	s2 =	sadd.s32 s3, s2  }
0x8d: {  	s2 =	sadd.s32 s2, s17  }
0x8e: {  	[smem:$0x3FBE] =	sst s2  }
0x8f: {  	_ = 	snop  }
0x90: {  	s2 =	sld [smem:$0x3FD0];
	(tm) =	ssettm $0x1  }
0x91: {  	s18 =	sld [smem:$0x3FFB];
	_ =	sdelay $0x3  }
0x92: {  	_ =	strace s18  }
0x93: {  	s3 =	sld [smem:$0x3FFC];
	_ =	sdelay $0x3  }
0x94: {  	_ =	strace s3  }
0x95: {  	s3 =	sld [smem:$0x3FFD];
	_ =	sdelay $0x3  }
0x96: {  	_ =	strace s3  }
0x97: {  	_ =	strace $0x8FFFFFFF  }
0x98: {  	s19 =	sld [smem:$0x3FDB];
	_ =	sdelay $0x1  }
0x99: {  	s4 =	simm.s32 $_scs_section_size  }
0x9a: {  	s5 =	simm.s32 $_size__tile_overlayer_lowered;
	s6 =	simm.s32 $_tile_overlayer_lowered  }
0x9b: {  	s22 =	simm.s32 $0x1BFF;
	s21 =	sshll.u32 s6, $0x1;
	s3 =	sadd.s32 s4, s19  }
0x9c: {  	s7 =	simm.s32 $0x0;
	s20 =	sshll.u32 s5, $0x1;
	s5 =	sadd.s32 s21, s3  }
0x9d: {  	[timem:s7], [sflag:s22] =	dma.local [hbm:s5], s20  }
0x9e: {  	_ =	swait.ge [sflag:s22], s20  }
0x9f: {  	s4 =	ssub.s32 $0x0, s20;
	[sflag:s22] =	ssyncset.done $0x0  }
0xa0: {  	[sflag:s22] =	ssyncadd.s32 s4;
	_ =	sdelay $0x1  }
0xa1: {  	s23 =	simm.s32 $0x1B8B  }
0xa2: {  	_ =	swait.ge [sflag:s23], $0x1  }
0xa3: {  	[sflag:s23] =	ssyncset.done $0x0  }
0xa4: {  	s25 =	simm.s32 $0x1B8E;
	s24 =	sld [smem:$0x3FFE];
	[sflag:s23] =	ssyncadd.s32 $0xFFFFFFFF  }
0xa5: {  	s26 =	simm.s32 $execute0_lowered;
	[smem:$0x3FD2] =	sst s25  }
0xa6: {  	s5 =	sshll.u32 s26, $0x1;
	_ =	strace $0x80000046;
	[dreg:$0x1] =	wrdreg $0xFFFFFFFF  }
0xa7: {  	s28 =	simm.s32 $_size_execute0_lowered;
	s3 =	sadd.s32 s3, s5;
	[dreg:$0x0] =	wrdreg $0x0  }
0xa8: {  	s5 =	sshll.u32 s28, $0x1;
	[dreg:$0x2] =	wrdreg s3  }
0xa9: {  	[dreg:$0x3] =	wrdreg s5  }
0xaa: {  	[dreg:$0x4] =	wrdreg $0xC0  }
0xab: {  	_ =	task [dreg:s7], $0x5FFFF  }
0xac: {  	[dreg:$0x1] =	wrdreg $0xFFFFFFFF  }
0xad: {  	[dreg:$0x0] =	wrdreg $0x60  }
0xae: {  	[dreg:$0x2] =	wrdreg s24  }
0xaf: {  	[dreg:$0x3] =	wrdreg s2  }
0xb0: {  	[dreg:$0x4] =	wrdreg $0x90000  }
0xb1: {  	[dreg:$0x5] =	wrdreg $0x9  }
0xb2: {  	_ =	task.clear_ibuf [dreg:s7], $0x6FFFF;
	_ =	strace $0x90000046  }
0xb3: {  	s29 =	simm.s32 $0x9;
	_ =	strace $0x80000048  }
0xb4: {  	_ =	swait.ge [sflag:s29], $0x1  }
0xb5: {  	[sflag:s29] =	ssyncadd.s32 $0xFFFFFFFF  }
0xb6: {  	_ =	strace $0x90000048  }
0xb7: {  	_ =	sfence  }
0xb8: {  	s30 =	sld [smem:$0x0];
	_ =	sdelay $0x2  }
0xb9: {  	s31 =	sshll.u32 s1, $0xD;
	s1 =	sshrl.u32 s1, $0x2  }
0xba: {  	s3 =	sand.u32 $0x4000, s31;
	s1 =	sadd.s32 s1, s30  }
0xbb: {  	s0 =	sor.u32 s3, s0;
	s1 =	sshll.u32 s1, $0x11  }
0xbc: {  	s0 =	sor.u32 s1, s0  }
0xbd: {  	s0 =	sadd.s32 $0x8F2B, s0  }
0xbe: {  	[sflag:s0] =	ssyncadd.remote.s32 $0x1  }
0xbf: {  	_ =	sfence.sel $0xFFFF  }
0xc0: {  	[dreg:$0x0] =	wrdreg $0xFFFFFFFF;
	(pc) =	sbr.abs _section_cstart, $3  }
0xc1: {  	[dreg:$0x1] =	wrdreg $0xFFFFFFFF  }
0xc2: {  	_ =	task.clear_ibuf [dreg:s7], $0x2FFFF;
	_ =	strace $0x9FFFFFFF  }
0xc3: {  	(tm) =	ssettm $0x7FFFFFFF  }
tec
execute0_lowered:
.L_overlay_start_1:
0x0: {  	(tag) =	ssettag $0x1  }
0x1: {  	s0 =	rddreg [dreg:$0x0]  }
0x2: {  	s3 =	rddreg [dreg:$0x2]  }
0x3: {  	s4 =	simm.s32 $0x0;
	s1 =	srdreg.scid;
	s17 =	stileid.u32  }
0x4: {  	s12 =	simm.s32 $0x5;
	s13 =	simm.s32 $0x2000;
	s14 =	simm.s32 $0x28  }
0x5: {  	s15 =	simm.s32 $0x4000;
	s16 =	simm.s32 $0x5400;
	s19 =	simm.s32 $0x6800  }
0x6: {  	s20 =	simm.s32 $0x7C00;
	s21 =	simm.s32 $0x1;
	s22 =	simm.s32 $0x2  }
0x7: {  	s23 =	simm.s32 $0x50;
	s24 =	simm.s32 $0x3;
	s30 =	simm.s32 $0x3F80  }
0x8: {  	s31 =	simm.s32 $0x3E00;
	[smem:$0x7FF] =	sst s4;
	s1 =	sand.u32 $0x1, s1  }
0x9: {  	s2 =	smul.u32 $0x2800, s17;
	s7 =	sshll.u32 s17, $0xB;
	s5 =	sadd.s32 $0x22200, s0  }
0xa: {  	s25 =	smul.u32 $0x50000, s17;
	s29 =	sshll.u32 s17, $0x6;
	s6 =	sshll.u32 s1, $0xF  }
0xb: {  	s8 =	smul.u32 $0x28000, s1;
	_ =	strace $0x80000047;
	s1 =	ssub.s32 $0x2, s1  }
0xc: {  	s17 =	sor.u32 $0x1C05, s29;
	s6 =	sor.u32 s7, s6;
	s26 =	sshrl.u32 s1, $0x1  }
0xd: {  	s28 =	sshrl.u32 s25, $0x2;
	s25 =	simm.s32 $0x4;
	s2 =	sadd.s32 s2, s8  }
0xe: {  	s9 =	sadd.s32 s6, s0;
	s1 =	ssub.s32 s1, s26;
	s0 =	sadd.s32 s2, s0  }
0xf: {  	s6 =	sadd.s32 $0x2200, s9;
	s7 =	sadd.s32 $0x12200, s9;
	s2 =	sadd.s32 s28, s3  }
0x10: {  	s8 =	sadd.s32 $0x2600, s9;
	s9 =	sadd.s32 $0x12600, s9;
	s11 =	smax.u32 s1, $0x1  }
0x11: {  	s10 =	sadd.s32 $0x49400, s0;
	s18 =	sshrl.u32 s2, $0x3;
	s0 =	simm.s32 $0x0  }
.LBB2_1:
0x12: {  	[tilespmem:s4], [sflag:$0x5] =	stream.linear.gather [hbm4b:s6+s4], $0x2000, $0x38;
	[tilespmem:$0x1D000] =	vst v63  }
0x13: {  	_ =	swait.ge [sflag:s12], $0x2000  }
0x14: {  	[sflag:s12] =	ssyncset.done $0x0  }
0x15: {  	[sflag:s12] =	ssyncadd.s32 $0xFFFFE000  }
0x16: {  	[tilespmem:s13], [sflag:$0x5] =	stream.linear.gather [hbm4b:s7+s4], $0x2000, $0x38;
	[tilespmem:$0x1D000] =	vst v63  }
0x17: {  	_ =	swait.ge [sflag:s12], $0x2000  }
0x18: {  	[sflag:s12] =	ssyncset.done $0x0  }
0x19: {  	[sflag:s12] =	ssyncadd.s32 $0xFFFFE000  }
0x1a: {  	[tilespmem:s15], [sflag:$0x1] =	stream.indirect.gather [hbm4b:s5+s14], $0x80, s4, s14, $0xb8;
	[tilespmem:$0x1D000] =	vst v63  }
0x1b: {  	s1 =	rddreg [dreg:$0x1]  }
0x1c: {  	[tilespmem:s16], [sflag:$0x2] =	stream.indirect.gather [hbm4b:s5+s14], $0x80, s14, s14, $0xb8;
	[tilespmem:$0x1D000] =	vst v63  }
0x1d: {  	[spmem:s18], [sflag:s17] =	dma.local [hbm:s1], $0x2800  }
0x1e: {  	_ =	swait.ge [sflag:s12], $0x2800  }
0x1f: {  	[sflag:s12] =	ssyncset.done $0x0  }
0x20: {  	[sflag:s12] =	ssyncadd.s32 $0xFFFFD800  }
0x21: {  	s28 =	simm.s32 $0x80;
	[bflag:$0x0] =	sbarrier.arrive $0xFFFF  }
0x22: {  	[tilespmem:s19], [sflag:$0x3] =	stream.indirect.gather [hbm4b:s5+s14], $0x80, s28, s14, $0xb8;
	[tilespmem:$0x1D000] =	vst v63  }
0x23: {  	s29 =	simm.s32 $0xA8  }
0x24: {  	[tilespmem:s20], [sflag:$0x4] =	stream.indirect.gather [hbm4b:s5+s14], $0x80, s29, s14, $0xb8;
	[tilespmem:$0x1D000] =	vst v63  }
0x25: {  	_ =	swait.ge [sflag:s21], $0x1400  }
0x26: {  	[sflag:s21] =	ssyncset.done $0x0  }
0x27: {  	[sflag:s21] =	ssyncadd.s32 $0xFFFFEC00  }
0x28: {  	_ =	swait.ge [sflag:s22], $0x1400  }
0x29: {  	[sflag:s22] =	ssyncset.done $0x0  }
0x2a: {  	s2 =	simm.s32 $0x2000;
	[sflag:s22] =	ssyncadd.s32 $0xFFFFEC00  }
0x2b: {  	[spmem:s3] =	stream.indirect.scatter.add.f32 [tilespmem:s15], [sflag:$0x5], $0x80, s2, s23, $0xb8;
	[tilespmem:$0x1D000] =	vst v63  }
0x2c: {  	_ =	swait.ge [sflag:s12], $0x2800  }
0x2d: {  	[sflag:s12] =	ssyncset.done $0x0  }
0x2e: {  	s26 =	simm.s32 $0x100;
	[sflag:s12] =	ssyncadd.s32 $0xFFFFD800  }
0x2f: {  	[tilespmem:s15], [sflag:$0x1] =	stream.indirect.gather [hbm4b:s5+s14], $0x80, s26, s14, $0xb8;
	[tilespmem:$0x1D000] =	vst v63  }
0x30: {  	s28 =	simm.s32 $0x128  }
0x31: {  	[tilespmem:s16], [sflag:$0x2] =	stream.indirect.gather [hbm4b:s5+s14], $0x80, s28, s14, $0xb8;
	[tilespmem:$0x1D000] =	vst v63  }
0x32: {  	_ =	swait.ge [sflag:s24], $0x1400  }
0x33: {  	[sflag:s24] =	ssyncset.done $0x0  }
0x34: {  	[sflag:s24] =	ssyncadd.s32 $0xFFFFEC00  }
0x35: {  	_ =	swait.ge [sflag:s25], $0x1400  }
0x36: {  	[sflag:s25] =	ssyncset.done $0x0  }
0x37: {  	s29 =	simm.s32 $0x2080;
	[sflag:s25] =	ssyncadd.s32 $0xFFFFEC00  }
0x38: {  	[spmem:s3] =	stream.indirect.scatter.add.f32 [tilespmem:s19], [sflag:$0x5], $0x80, s29, s23, $0xb8;
	[tilespmem:$0x1D000] =	vst v63  }
0x39: {  	_ =	swait.ge [sflag:s12], $0x2800  }
0x3a: {  	s1 =	simm.s32 $0x800;
	s2 =	simm.s32 $0x100;
	[sflag:s12] =	ssyncset.done $0x0  }
.LBB2_2:
0x3b: {  	s26 =	sadd.s32 $0x80, s2  }
0x3c: {  	[sflag:s12] =	ssyncadd.s32 $0xFFFFD800;
	s28 =	smov.u32 s1;
	s29 =	sadd.s32 $0x400, s1  }
0x3d: {  	[tilespmem:s19], [sflag:$0x3] =	stream.indirect.gather [hbm4b:s5+s14], $0x80, s26, s14, $0xb8;
	[tilespmem:$0x1D000] =	vst v63  }
0x3e: {  	p0 =	sne.s32 s1, $0x7800;
	s1 =	sadd.s32 $0xA8, s2  }
0x3f: {  	[tilespmem:s20], [sflag:$0x4] =	stream.indirect.gather [hbm4b:s5+s14], $0x80, s1, s14, $0xb8;
	[tilespmem:$0x1D000] =	vst v63  }
0x40: {  	_ =	swait.ge [sflag:s21], $0x1400  }
0x41: {  	[sflag:s21] =	ssyncset.done $0x0  }
0x42: {  	[sflag:s21] =	ssyncadd.s32 $0xFFFFEC00  }
0x43: {  	_ =	swait.ge [sflag:s22], $0x1400  }
0x44: {  	[sflag:s22] =	ssyncset.done $0x0  }
0x45: {  	s1 =	sadd.s32 $0x2000, s2;
	[sflag:s22] =	ssyncadd.s32 $0xFFFFEC00  }
0x46: {  	[spmem:s3] =	stream.indirect.scatter.add.f32 [tilespmem:s15], [sflag:$0x5], $0x80, s1, s23, $0xb8;
	[tilespmem:$0x1D000] =	vst v63  }
0x47: {  	_ =	swait.ge [sflag:s12], $0x2800  }
0x48: {  	[sflag:s12] =	ssyncset.done $0x0  }
0x49: {  	s1 =	sadd.s32 $0x100, s2;
	[sflag:s12] =	ssyncadd.s32 $0xFFFFD800  }
0x4a: {  	[tilespmem:s15], [sflag:$0x1] =	stream.indirect.gather [hbm4b:s5+s14], $0x80, s1, s14, $0xb8;
	[tilespmem:$0x1D000] =	vst v63  }
0x4b: {  	s1 =	sadd.s32 $0x128, s2  }
0x4c: {  	[tilespmem:s16], [sflag:$0x2] =	stream.indirect.gather [hbm4b:s5+s14], $0x80, s1, s14, $0xb8;
	[tilespmem:$0x1D000] =	vst v63  }
0x4d: {  	_ =	swait.ge [sflag:s24], $0x1400  }
0x4e: {  	[sflag:s24] =	ssyncset.done $0x0  }
0x4f: {  	[sflag:s24] =	ssyncadd.s32 $0xFFFFEC00  }
0x50: {  	_ =	swait.ge [sflag:s25], $0x1400  }
.Ltmp0:
0x51: {  	[sflag:s25] =	ssyncset.done $0x0;
	(pc) =	sbr.rel @p0 .LBB2_2-.Ltmp0, $4  }
0x52: {  	s1 =	sadd.s32 $0x2080, s2;
	[sflag:s25] =	ssyncadd.s32 $0xFFFFEC00  }
0x53: {  	[spmem:s3] =	stream.indirect.scatter.add.f32 [tilespmem:s19], [sflag:$0x5], $0x80, s1, s23, $0xb8;
	[tilespmem:$0x1D000] =	vst v63  }
0x54: {  	_ =	swait.ge [sflag:s12], $0x2800  }
0x55: {  	s2 =	sshra.s32 s28, $0x2;
	s1 =	smov.u32 s29;
	[sflag:s12] =	ssyncset.done $0x0  }
0x56: {  	s1 =	sadd.s32 $0x80, s2;
	[sflag:s12] =	ssyncadd.s32 $0xFFFFD800  }
0x57: {  	[tilespmem:s19], [sflag:$0x3] =	stream.indirect.gather [hbm4b:s5+s14], $0x80, s1, s14, $0xb8;
	[tilespmem:$0x1D000] =	vst v63  }
0x58: {  	s29 =	sadd.s32 $0xA8, s2  }
0x59: {  	[tilespmem:s20], [sflag:$0x4] =	stream.indirect.gather [hbm4b:s5+s14], $0x80, s29, s14, $0xb8;
	[tilespmem:$0x1D000] =	vst v63  }
0x5a: {  	_ =	swait.ge [sflag:s21], $0x1400  }
0x5b: {  	[sflag:s21] =	ssyncset.done $0x0  }
0x5c: {  	[sflag:s21] =	ssyncadd.s32 $0xFFFFEC00  }
0x5d: {  	_ =	swait.ge [sflag:s22], $0x1400  }
0x5e: {  	[sflag:s22] =	ssyncset.done $0x0  }
0x5f: {  	s26 =	sadd.s32 $0x2000, s2;
	[sflag:s22] =	ssyncadd.s32 $0xFFFFEC00  }
0x60: {  	[spmem:s3] =	stream.indirect.scatter.add.f32 [tilespmem:s15], [sflag:$0x5], $0x80, s26, s23, $0xb8;
	[tilespmem:$0x1D000] =	vst v63  }
0x61: {  	_ =	swait.ge [sflag:s12], $0x2800  }
0x62: {  	[sflag:s12] =	ssyncset.done $0x0  }
0x63: {  	s28 =	sadd.s32 $0x100, s2;
	[sflag:s12] =	ssyncadd.s32 $0xFFFFD800  }
0x64: {  	[tilespmem:s15], [sflag:$0x1] =	stream.indirect.gather [hbm4b:s5+s14], $0x80, s28, s14, $0xb8;
	[tilespmem:$0x1D000] =	vst v63  }
0x65: {  	s29 =	sadd.s32 $0x128, s2  }
0x66: {  	[tilespmem:s16], [sflag:$0x2] =	stream.indirect.gather [hbm4b:s5+s14], $0x80, s29, s14, $0xb8;
	[tilespmem:$0x1D000] =	vst v63  }
0x67: {  	_ =	swait.ge [sflag:s24], $0x1400  }
0x68: {  	[sflag:s24] =	ssyncset.done $0x0  }
0x69: {  	[sflag:s24] =	ssyncadd.s32 $0xFFFFEC00  }
0x6a: {  	_ =	swait.ge [sflag:s25], $0x1400  }
0x6b: {  	[sflag:s25] =	ssyncset.done $0x0  }
0x6c: {  	s26 =	sadd.s32 $0x2080, s2;
	[sflag:s25] =	ssyncadd.s32 $0xFFFFEC00  }
0x6d: {  	[spmem:s3] =	stream.indirect.scatter.add.f32 [tilespmem:s19], [sflag:$0x5], $0x80, s26, s23, $0xb8;
	[tilespmem:$0x1D000] =	vst v63  }
0x6e: {  	_ =	swait.ge [sflag:s12], $0x2800  }
0x6f: {  	[sflag:s12] =	ssyncset.done $0x0  }
0x70: {  	s28 =	simm.s32 $0x1F80;
	[sflag:s12] =	ssyncadd.s32 $0xFFFFD800  }
0x71: {  	[tilespmem:s19], [sflag:$0x3] =	stream.indirect.gather [hbm4b:s5+s14], $0x80, s28, s14, $0xb8;
	[tilespmem:$0x1D000] =	vst v63  }
0x72: {  	s29 =	simm.s32 $0x1FA8  }
0x73: {  	[tilespmem:s20], [sflag:$0x4] =	stream.indirect.gather [hbm4b:s5+s14], $0x80, s29, s14, $0xb8;
	[tilespmem:$0x1D000] =	vst v63  }
0x74: {  	_ =	swait.ge [sflag:s21], $0x1400  }
0x75: {  	[sflag:s21] =	ssyncset.done $0x0  }
0x76: {  	[sflag:s21] =	ssyncadd.s32 $0xFFFFEC00  }
0x77: {  	_ =	swait.ge [sflag:s22], $0x1400  }
0x78: {  	[sflag:s22] =	ssyncset.done $0x0  }
0x79: {  	s2 =	simm.s32 $0x3F00;
	[sflag:s22] =	ssyncadd.s32 $0xFFFFEC00  }
0x7a: {  	[spmem:s3] =	stream.indirect.scatter.add.f32 [tilespmem:s15], [sflag:$0x5], $0x80, s2, s23, $0xb8;
	[tilespmem:$0x1D000] =	vst v63  }
0x7b: {  	_ =	swait.ge [sflag:s12], $0x2800  }
0x7c: {  	[sflag:s12] =	ssyncset.done $0x0  }
0x7d: {  	[sflag:s12] =	ssyncadd.s32 $0xFFFFD800  }
0x7e: {  	_ =	swait.ge [sflag:s24], $0x1400  }
0x7f: {  	[sflag:s24] =	ssyncset.done $0x0  }
0x80: {  	[sflag:s24] =	ssyncadd.s32 $0xFFFFEC00  }
0x81: {  	_ =	swait.ge [sflag:s25], $0x1400  }
0x82: {  	[sflag:s25] =	ssyncset.done $0x0  }
0x83: {  	[sflag:s25] =	ssyncadd.s32 $0xFFFFEC00  }
0x84: {  	[spmem:s3] =	stream.indirect.scatter.add.f32 [tilespmem:s19], [sflag:$0x5], $0x80, s30, s23, $0xb8;
	[tilespmem:$0x1D000] =	vst v63  }
0x85: {  	_ =	swait.ge [sflag:s12], $0x2800  }
0x86: {  	[sflag:s12] =	ssyncset.done $0x0  }
0x87: {  	s26 =	simm.s32 $0x0;
	[sflag:s12] =	ssyncadd.s32 $0xFFFFD800  }
0x88: {  	[tilespmem:s26], [sflag:$0x5] =	stream.linear.gather [hbm4b:s8+s26], $0x1E80, $0x38;
	[tilespmem:$0x1D000] =	vst v63  }
0x89: {  	_ =	swait.ge [sflag:s12], $0x1E80  }
0x8a: {  	[sflag:s12] =	ssyncset.done $0x0  }
0x8b: {  	[sflag:s12] =	ssyncadd.s32 $0xFFFFE180  }
0x8c: {  	[tilespmem:s13], [sflag:$0x5] =	stream.linear.gather [hbm4b:s9+s26], $0x1E80, $0x38;
	[tilespmem:$0x1D000] =	vst v63  }
0x8d: {  	_ =	swait.ge [sflag:s12], $0x1E80  }
0x8e: {  	[sflag:s12] =	ssyncset.done $0x0  }
0x8f: {  	[sflag:s12] =	ssyncadd.s32 $0xFFFFE180  }
0x90: {  	[tilespmem:s15], [sflag:$0x1] =	stream.indirect.gather [hbm4b:s5+s14], $0x80, s26, s14, $0xb8;
	[tilespmem:$0x1D000] =	vst v63  }
0x91: {  	_ = 	snop  }
0x92: {  	[tilespmem:s16], [sflag:$0x2] =	stream.indirect.gather [hbm4b:s5+s14], $0x80, s14, s14, $0xb8;
	[tilespmem:$0x1D000] =	vst v63  }
0x93: {  	s28 =	simm.s32 $0x80  }
0x94: {  	[tilespmem:s19], [sflag:$0x3] =	stream.indirect.gather [hbm4b:s5+s14], $0x80, s28, s14, $0xb8;
	[tilespmem:$0x1D000] =	vst v63  }
0x95: {  	s29 =	simm.s32 $0xA8  }
0x96: {  	[tilespmem:s20], [sflag:$0x4] =	stream.indirect.gather [hbm4b:s5+s14], $0x80, s29, s14, $0xb8;
	[tilespmem:$0x1D000] =	vst v63  }
0x97: {  	_ =	swait.ge [sflag:s21], $0x1400  }
0x98: {  	[sflag:s21] =	ssyncset.done $0x0  }
0x99: {  	[sflag:s21] =	ssyncadd.s32 $0xFFFFEC00  }
0x9a: {  	_ =	swait.ge [sflag:s22], $0x1400  }
0x9b: {  	[sflag:s22] =	ssyncset.done $0x0  }
0x9c: {  	s2 =	simm.s32 $0x2000;
	[sflag:s22] =	ssyncadd.s32 $0xFFFFEC00  }
0x9d: {  	[spmem:s3] =	stream.indirect.scatter.add.f32 [tilespmem:s15], [sflag:$0x5], $0x80, s2, s23, $0xb8;
	[tilespmem:$0x1D000] =	vst v63  }
0x9e: {  	_ =	swait.ge [sflag:s12], $0x2800  }
0x9f: {  	[sflag:s12] =	ssyncset.done $0x0  }
0xa0: {  	s26 =	simm.s32 $0x100;
	[sflag:s12] =	ssyncadd.s32 $0xFFFFD800  }
0xa1: {  	[tilespmem:s15], [sflag:$0x1] =	stream.indirect.gather [hbm4b:s5+s14], $0x80, s26, s14, $0xb8;
	[tilespmem:$0x1D000] =	vst v63  }
0xa2: {  	s28 =	simm.s32 $0x128  }
0xa3: {  	[tilespmem:s16], [sflag:$0x2] =	stream.indirect.gather [hbm4b:s5+s14], $0x80, s28, s14, $0xb8;
	[tilespmem:$0x1D000] =	vst v63  }
0xa4: {  	_ =	swait.ge [sflag:s24], $0x1400  }
0xa5: {  	[sflag:s24] =	ssyncset.done $0x0  }
0xa6: {  	[sflag:s24] =	ssyncadd.s32 $0xFFFFEC00  }
0xa7: {  	_ =	swait.ge [sflag:s25], $0x1400  }
0xa8: {  	[sflag:s25] =	ssyncset.done $0x0  }
0xa9: {  	s29 =	simm.s32 $0x2080;
	[sflag:s25] =	ssyncadd.s32 $0xFFFFEC00  }
0xaa: {  	[spmem:s3] =	stream.indirect.scatter.add.f32 [tilespmem:s19], [sflag:$0x5], $0x80, s29, s23, $0xb8;
	[tilespmem:$0x1D000] =	vst v63  }
0xab: {  	_ =	swait.ge [sflag:s12], $0x2800  }
0xac: {  	s1 =	simm.s32 $0x800;
	s2 =	simm.s32 $0x100;
	[sflag:s12] =	ssyncset.done $0x0  }
.LBB2_4:
0xad: {  	s26 =	sadd.s32 $0x80, s2  }
0xae: {  	[sflag:s12] =	ssyncadd.s32 $0xFFFFD800;
	s28 =	smov.u32 s1;
	s29 =	sadd.s32 $0x400, s1  }
0xaf: {  	[tilespmem:s19], [sflag:$0x3] =	stream.indirect.gather [hbm4b:s5+s14], $0x80, s26, s14, $0xb8;
	[tilespmem:$0x1D000] =	vst v63  }
0xb0: {  	p0 =	sne.s32 s1, $0x7400;
	s1 =	sadd.s32 $0xA8, s2  }
0xb1: {  	[tilespmem:s20], [sflag:$0x4] =	stream.indirect.gather [hbm4b:s5+s14], $0x80, s1, s14, $0xb8;
	[tilespmem:$0x1D000] =	vst v63  }
0xb2: {  	_ =	swait.ge [sflag:s21], $0x1400  }
0xb3: {  	[sflag:s21] =	ssyncset.done $0x0  }
0xb4: {  	[sflag:s21] =	ssyncadd.s32 $0xFFFFEC00  }
0xb5: {  	_ =	swait.ge [sflag:s22], $0x1400  }
0xb6: {  	[sflag:s22] =	ssyncset.done $0x0  }
0xb7: {  	s1 =	sadd.s32 $0x2000, s2;
	[sflag:s22] =	ssyncadd.s32 $0xFFFFEC00  }
0xb8: {  	[spmem:s3] =	stream.indirect.scatter.add.f32 [tilespmem:s15], [sflag:$0x5], $0x80, s1, s23, $0xb8;
	[tilespmem:$0x1D000] =	vst v63  }
0xb9: {  	_ =	swait.ge [sflag:s12], $0x2800  }
0xba: {  	[sflag:s12] =	ssyncset.done $0x0  }
0xbb: {  	s1 =	sadd.s32 $0x100, s2;
	[sflag:s12] =	ssyncadd.s32 $0xFFFFD800  }
0xbc: {  	[tilespmem:s15], [sflag:$0x1] =	stream.indirect.gather [hbm4b:s5+s14], $0x80, s1, s14, $0xb8;
	[tilespmem:$0x1D000] =	vst v63  }
0xbd: {  	s1 =	sadd.s32 $0x128, s2  }
0xbe: {  	[tilespmem:s16], [sflag:$0x2] =	stream.indirect.gather [hbm4b:s5+s14], $0x80, s1, s14, $0xb8;
	[tilespmem:$0x1D000] =	vst v63  }
0xbf: {  	_ =	swait.ge [sflag:s24], $0x1400  }
0xc0: {  	[sflag:s24] =	ssyncset.done $0x0  }
0xc1: {  	[sflag:s24] =	ssyncadd.s32 $0xFFFFEC00  }
0xc2: {  	_ =	swait.ge [sflag:s25], $0x1400  }
.Ltmp1:
0xc3: {  	[sflag:s25] =	ssyncset.done $0x0;
	(pc) =	sbr.rel @p0 .LBB2_4-.Ltmp1, $4  }
0xc4: {  	s1 =	sadd.s32 $0x2080, s2;
	[sflag:s25] =	ssyncadd.s32 $0xFFFFEC00  }
0xc5: {  	[spmem:s3] =	stream.indirect.scatter.add.f32 [tilespmem:s19], [sflag:$0x5], $0x80, s1, s23, $0xb8;
	[tilespmem:$0x1D000] =	vst v63  }
0xc6: {  	_ =	swait.ge [sflag:s12], $0x2800  }
0xc7: {  	s2 =	sshra.s32 s28, $0x2;
	s1 =	smov.u32 s29;
	[sflag:s12] =	ssyncset.done $0x0  }
0xc8: {  	s1 =	sadd.s32 $0x80, s2;
	[sflag:s12] =	ssyncadd.s32 $0xFFFFD800  }
0xc9: {  	[tilespmem:s19], [sflag:$0x3] =	stream.indirect.gather [hbm4b:s5+s14], $0x80, s1, s14, $0xb8;
	[tilespmem:$0x1D000] =	vst v63  }
0xca: {  	s28 =	sadd.s32 $0xA8, s2  }
0xcb: {  	[tilespmem:s20], [sflag:$0x4] =	stream.indirect.gather [hbm4b:s5+s14], $0x80, s28, s14, $0xb8;
	[tilespmem:$0x1D000] =	vst v63  }
0xcc: {  	_ =	swait.ge [sflag:s21], $0x1400  }
0xcd: {  	[sflag:s21] =	ssyncset.done $0x0  }
0xce: {  	[sflag:s21] =	ssyncadd.s32 $0xFFFFEC00  }
0xcf: {  	_ =	swait.ge [sflag:s22], $0x1400  }
0xd0: {  	[sflag:s22] =	ssyncset.done $0x0  }
0xd1: {  	s29 =	sadd.s32 $0x2000, s2;
	[sflag:s22] =	ssyncadd.s32 $0xFFFFEC00  }
0xd2: {  	[spmem:s3] =	stream.indirect.scatter.add.f32 [tilespmem:s15], [sflag:$0x5], $0x80, s29, s23, $0xb8;
	[tilespmem:$0x1D000] =	vst v63  }
0xd3: {  	_ =	swait.ge [sflag:s12], $0x2800  }
0xd4: {  	[sflag:s12] =	ssyncset.done $0x0  }
0xd5: {  	s26 =	sadd.s32 $0x100, s2;
	[sflag:s12] =	ssyncadd.s32 $0xFFFFD800  }
0xd6: {  	[tilespmem:s15], [sflag:$0x1] =	stream.indirect.gather [hbm4b:s5+s14], $0x80, s26, s14, $0xb8;
	[tilespmem:$0x1D000] =	vst v63  }
0xd7: {  	s28 =	sadd.s32 $0x128, s2  }
0xd8: {  	[tilespmem:s16], [sflag:$0x2] =	stream.indirect.gather [hbm4b:s5+s14], $0x80, s28, s14, $0xb8;
	[tilespmem:$0x1D000] =	vst v63  }
0xd9: {  	_ =	swait.ge [sflag:s24], $0x1400  }
0xda: {  	[sflag:s24] =	ssyncset.done $0x0  }
0xdb: {  	[sflag:s24] =	ssyncadd.s32 $0xFFFFEC00  }
0xdc: {  	_ =	swait.ge [sflag:s25], $0x1400  }
0xdd: {  	[sflag:s25] =	ssyncset.done $0x0  }
0xde: {  	s29 =	sadd.s32 $0x2080, s2;
	[sflag:s25] =	ssyncadd.s32 $0xFFFFEC00  }
0xdf: {  	[spmem:s3] =	stream.indirect.scatter.add.f32 [tilespmem:s19], [sflag:$0x5], $0x80, s29, s23, $0xb8;
	[tilespmem:$0x1D000] =	vst v63  }
0xe0: {  	_ =	swait.ge [sflag:s12], $0x2800  }
0xe1: {  	[sflag:s12] =	ssyncset.done $0x0  }
0xe2: {  	[sflag:s12] =	ssyncadd.s32 $0xFFFFD800  }
0xe3: {  	_ =	swait.ge [sflag:s21], $0x1400  }
0xe4: {  	[sflag:s21] =	ssyncset.done $0x0  }
0xe5: {  	[sflag:s21] =	ssyncadd.s32 $0xFFFFEC00  }
0xe6: {  	_ =	swait.ge [sflag:s22], $0x1400  }
0xe7: {  	[sflag:s22] =	ssyncset.done $0x0  }
0xe8: {  	[sflag:s22] =	ssyncadd.s32 $0xFFFFEC00  }
0xe9: {  	[spmem:s3] =	stream.indirect.scatter.add.f32 [tilespmem:s15], [sflag:$0x5], $0x80, s31, s23, $0xb8;
	[tilespmem:$0x1D000] =	vst v63  }
0xea: {  	_ =	swait.ge [sflag:s12], $0x2800  }
0xeb: {  	s0 =	sadd.s32 $0x1, s0;
	[sflag:s12] =	ssyncset.done $0x0  }
0xec: {  	p0 =	sne.s32 s0, s11;
	[sflag:s12] =	ssyncadd.s32 $0xFFFFD800  }
.Ltmp2:
0xed: {  	[bflag:$0x0] =	sbarrier.arrive $0xFFFF;
	(pc) =	sbr.rel @p0 .LBB2_1-.Ltmp2, $4  }
0xee: {  	[hbm:s10], [sflag:s17] =	dma.local [spmem:s18], $0x2800  }
0xef: {  	_ =	swait.ge [sflag:s12], $0x2800  }
0xf0: {  	[sflag:s12] =	ssyncset.done $0x0  }
0xf1: {  	[sflag:s12] =	ssyncadd.s32 $0xFFFFD800  }
0xf2: {  	_ =	sfence.sel $0x180000  }
0xf3: {  	[bflag:$0x0] =	sbarrier.arrive $0xFFFF  }
0xf4: {  	_ =	strace $0x90000047  }
0xf5: {  	s0 =	stileid.u32;
	[bflag:$0x2] =	sbarrier.arrive $0xFFFF  }
0xf6: {  	p0 =	sne.s32 s0, $0x0;
	s0 =	rddreg [dreg:$0x3]  }
0xf7: {  	s0 =	sadd.s32 @!p0 $0x100000, s0  }
0xf8: {  	[sflag:s0] =	ssyncadd.tile.s32 @!p0 $0x1;
	_ =	shalt  }
.Lfunc_end2:
_tile_overlayer_lowered:
.L_overlay_start_2:
0xf9: {  	(tag) =	ssettag $0x2  }
0xfa: {  	s0 =	rddreg [dreg:$0x0];
	s2 =	stileid.u32  }
0xfb: {  	s1 =	rddreg [dreg:$0x1];
	p0 =	sne.s32 s2, $0x0  }
0xfc: {  	s3 =	rddreg [dreg:$0x2];
	[bflag:$0x3] =	sbarrier.arrive $0xFFFF;
	s2 =	simm.s32 @!p0 $0x1C05  }
0xfd: {  	[timem:s3], [sflag:s2] =	dma.local @!p0 [hbm:s0], s1  }
0xfe: {  	s0 =	simm.s32 @!p0 $0x5  }
0xff: {  	_ =	swait.ge @!p0 [sflag:s0], s1  }
0x100: {  	s1 =	ssub.s32 @!p0 $0x0, s1;
	[sflag:s0] =	ssyncset.done @!p0 $0x0  }
0x101: {  	[sflag:s0] =	ssyncadd.s32 @!p0 s1  }
0x102: {  	[bflag:$0x3] =	sbarrier.arrive $0xFFFF  }
0x103: {  	_ =	shalt  }

</sc_bundles>
